<compile_context>
chip_gen: v7x
topology: tpu7x:2x2x1
jax: 0.10.2.dev20260603
libtpu: 0.0.44.dev20260713+nightly
codegen_flags: <defaults>
</compile_context>

<pallas_src>
import functools

import jax
import jax.numpy as jnp
from jax import lax
from jax.experimental import pallas as pl
from jax.experimental.pallas import tpu as pltpu
from jax.experimental.pallas import tpu_sc as plsc

B = 16384
D = 32
L = 16
NC, NS = 2, 16
NW = NC * NS
RPW = B // NW
CH = 128
NCH = RPW // CH
GROUPS = RPW // L


def _sc_body(uid_hbm, qid_hbm, ut_hbm, qt_hbm, w_hbm, out_hbm,
             idx_u, idx_q, rows_u, rows_q, wv, outbuf, sem):
    c = lax.axis_index("c")
    s = lax.axis_index("s")
    wid = s * NC + c

    pltpu.sync_copy(uid_hbm.at[pl.ds(wid * NCH, NCH)], idx_u)
    pltpu.sync_copy(qid_hbm.at[pl.ds(wid * NCH, NCH)], idx_q)
    pltpu.sync_copy(w_hbm, wv)

    cps = []
    for j in range(NCH):
        cps.append(pltpu.async_copy(
            ut_hbm.at[idx_u.at[j]], rows_u.at[pl.ds(j * CH, CH)], sem))
        cps.append(pltpu.async_copy(
            qt_hbm.at[idx_q.at[j]], rows_q.at[pl.ds(j * CH, CH)], sem))
    for cp in cps:
        cp.wait()

    wu0 = wv[0, :]
    wu1 = wv[1, :]
    wq0 = wv[2, :]
    wq1 = wv[3, :]
    dbv = wv[4, :]
    lanes = lax.iota(jnp.int32, L)
    masks = [((lanes >> j) & 1) == 1 for j in range(4)]
    perms = [lanes ^ (1 << j) for j in range(4)]

    def group(g, carry):
        vs = []
        for r in range(L):
            row = g * L + r
            vs.append(rows_u[row, pl.ds(0, L)] * wu0
                      + rows_u[row, pl.ds(L, L)] * wu1
                      + rows_q[row, pl.ds(0, L)] * wq0
                      + rows_q[row, pl.ds(L, L)] * wq1)
        j = 0
        while len(vs) > 1:
            nxt = []
            for i in range(len(vs) // 2):
                a, b = vs[2 * i], vs[2 * i + 1]
                ab = jnp.where(masks[j], b, a)
                ba = jnp.where(masks[j], a, b)
                nxt.append(ab + ba.at[perms[j]].get(
                    mode="promise_in_bounds"))
            vs = nxt
            j += 1
        d = vs[0] + dbv
        p0 = 1.0 / (1.0 + jnp.exp(-d))
        p1 = 1.0 - p0
        half = lanes >> 1
        even = (lanes & 1) == 0
        lo0 = p0.at[half].get(mode="promise_in_bounds")
        lo1 = p1.at[half].get(mode="promise_in_bounds")
        hi0 = p0.at[half + 8].get(mode="promise_in_bounds")
        hi1 = p1.at[half + 8].get(mode="promise_in_bounds")
        outbuf[pl.ds(g * 2 * L, L)] = jnp.where(even, lo0, lo1)
        outbuf[pl.ds(g * 2 * L + L, L)] = jnp.where(even, hi0, hi1)
        return carry

    lax.fori_loop(0, GROUPS, group, 0, unroll=False)

    pltpu.sync_copy(outbuf, out_hbm.at[pl.ds(wid * RPW * 2, RPW * 2)])


@jax.jit
def _run(uid2d, qid2d, user_table, question_table, wpk):
    mesh = plsc.VectorSubcoreMesh(core_axis_name="c", subcore_axis_name="s")
    flat = pl.kernel(
        _sc_body,
        mesh=mesh,
        out_type=jax.ShapeDtypeStruct((B * 2,), jnp.float32),
        compiler_params=pltpu.CompilerParams(use_tc_tiling_on_sc=False),
        scratch_types=[
            pltpu.VMEM((NCH, CH), jnp.int32),
            pltpu.VMEM((NCH, CH), jnp.int32),
            pltpu.VMEM((RPW, D), jnp.float32),
            pltpu.VMEM((RPW, D), jnp.float32),
            pltpu.VMEM((5, L), jnp.float32),
            pltpu.VMEM((RPW * 2,), jnp.float32),
            pltpu.SemaphoreType.DMA,
        ],
    )(uid2d, qid2d, user_table, question_table, wpk)
    return flat.reshape(B, 2)


def kernel(user_ids, question_ids, user_table, question_table, W, b):
    uid2d = user_ids.astype(jnp.int32).reshape(NW * NCH, CH)
    qid2d = question_ids.astype(jnp.int32).reshape(NW * NCH, CH)
    wd = W[0] - W[1]
    db = b[0] - b[1]
    wpk = jnp.concatenate([wd, jnp.full((L,), db, jnp.float32)]).reshape(5, L)
    return _run(uid2d, qid2d, user_table, question_table, wpk)

# --- scband reference (transcript-rebuilt; emitter-appended) ---
"""Pipeline reference for scband-simple-ktmodel-4956392259909 (READ-ONLY COPY).

The authoritative reference and input builder live on the scoring server;
editing this copy changes nothing except your own understanding.
"""

import jax, jax.numpy as jnp
import numpy as np

NUM_USERS = 1000000
NUM_QUESTIONS = 100000
EMBED_DIM = 32
BATCH = 16384


def setup_inputs(seed: int = 0) -> dict:
    key = jax.random.key(seed)
    k1, k2, k3, k4, k5, k6 = jax.random.split(key, 6)
    user_ids = jax.random.randint(k1, (BATCH,), 0, NUM_USERS, dtype=jnp.int32).astype(jnp.int64) if False else jax.random.randint(k1, (BATCH,), 0, NUM_USERS)
    question_ids = jax.random.randint(k2, (BATCH,), 0, NUM_QUESTIONS)
    user_table = jax.random.normal(k3, (NUM_USERS, EMBED_DIM), dtype=jnp.float32)
    question_table = jax.random.normal(k4, (NUM_QUESTIONS, EMBED_DIM), dtype=jnp.float32)
    # nn.Linear(embedding_dim*2, 2): weight [2, 64], bias [2]
    W = jax.random.normal(k5, (2, EMBED_DIM * 2), dtype=jnp.float32) * (1.0 / np.sqrt(EMBED_DIM * 2))
    b = jax.random.normal(k6, (2,), dtype=jnp.float32) * 0.01
    return {
        "user_ids": user_ids,
        "question_ids": question_ids,
        "user_table": user_table,
        "question_table": question_table,
        "W": W,
        "b": b,
    }


def reference(user_ids, question_ids, user_table, question_table, W, b):
    user_emb = jnp.take(user_table, user_ids, axis=0)            # [B, 32]
    question_emb = jnp.take(question_table, question_ids, axis=0)  # [B, 32]
    combined = jnp.concatenate([user_emb, question_emb], axis=-1)  # [B, 64]
    logits = combined @ W.T + b                                   # [B, 2]
    return jax.nn.softmax(logits, axis=-1)

if __name__ == "__main__":
    import jax
    _d = setup_inputs()
    print(jax.jit(kernel)(*tuple(_d.values())))

</pallas_src>

<mosaic_0001>
#map = affine_map<(d0, d1) -> (0, 0)>
#map1 = affine_map<(d0, d1) -> (0)>
module attributes {stable_mosaic.version = 14 : i64} {
  func.func @_sc_body(%arg0: i32, %arg1: i32, %arg2: memref<128x128xi32, #tpu.memory_space<hbm>>, %arg3: memref<128x128xi32, #tpu.memory_space<hbm>>, %arg4: memref<1000000x32xf32, #tpu.memory_space<hbm>>, %arg5: memref<100000x32xf32, #tpu.memory_space<hbm>>, %arg6: memref<5x16xf32, #tpu.memory_space<hbm>>, %arg7: memref<32768xf32, #tpu.memory_space<hbm>>, %arg8: memref<4x128xi32, #tpu.memory_space<vmem>>, %arg9: memref<4x128xi32, #tpu.memory_space<vmem>>, %arg10: memref<512x32xf32, #tpu.memory_space<vmem>>, %arg11: memref<512x32xf32, #tpu.memory_space<vmem>>, %arg12: memref<5x16xf32, #tpu.memory_space<vmem>>, %arg13: memref<1024xf32, #tpu.memory_space<vmem>>, %arg14: memref<!tpu.dma_semaphore, #tpu.memory_space<semaphore_mem>>) attributes {dimension_semantics = [#tpu.dimension_semantics<core_parallel>, #tpu.dimension_semantics<subcore_parallel>], iteration_bounds = array<i64: 2, 16>, scalar_prefetch = 0 : i64, scratch_operands = 7 : i64, tpu.core_type = #tpu.core_type<sc_vector_subcore>, window_params = [{transform_indices = #map}, {transform_indices = #map}, {transform_indices = #map}, {transform_indices = #map}, {transform_indices = #map}, {transform_indices = #map1}]} {
    %mul3A = arith.constant 2 : i32
    %mul3A_0 = arith.muli %arg1, %mul3A : i32
    %add3A = arith.addi %mul3A_0, %arg0 : i32
    %mul3A_1 = arith.constant 4 : i32
    %mul3A_2 = arith.muli %add3A, %mul3A_1 : i32
    "tpu.region"() ({
      %run_scoped3A = tpu.sem_alloc : memref<!tpu.dma_semaphore, #tpu.memory_space<semaphore_mem>>
      %dma_start3A_240 = arith.constant 0 : i32
      %dma_start3A_241 = tpu.memref_slice %arg2[%mul3A_2, %dma_start3A_240] : memref<128x128xi32, #tpu.memory_space<hbm>> -> memref<4x128xi32, #tpu.memory_space<hbm>>
      %dma_start3A_242 = arith.constant 0 : i32
      %dma_start3A_243 = tpu.memref_slice %arg2[%mul3A_2, %dma_start3A_242] : memref<128x128xi32, #tpu.memory_space<hbm>> -> memref<4x128xi32, #tpu.memory_space<hbm>>
      tpu.enqueue_dma source(%dma_start3A_243 : memref<4x128xi32, #tpu.memory_space<hbm>>) target(%arg8 : memref<4x128xi32, #tpu.memory_space<vmem>>) target_semaphore(%run_scoped3A : memref<!tpu.dma_semaphore, #tpu.memory_space<semaphore_mem>>)
      %dma_wait3A_244 = arith.constant 0 : i32
      %dma_wait3A_245 = tpu.memref_slice %arg2[%mul3A_2, %dma_wait3A_244] : memref<128x128xi32, #tpu.memory_space<hbm>> -> memref<4x128xi32, #tpu.memory_space<hbm>>
      %dma_wait3A_246 = arith.constant 0 : i32
      %dma_wait3A_247 = tpu.memref_slice %arg2[%mul3A_2, %dma_wait3A_246] : memref<128x128xi32, #tpu.memory_space<hbm>> -> memref<4x128xi32, #tpu.memory_space<hbm>>
      tpu.wait_dma2 semaphore(%run_scoped3A : memref<!tpu.dma_semaphore, #tpu.memory_space<semaphore_mem>>) src(%dma_wait3A_247 : memref<4x128xi32, #tpu.memory_space<hbm>>) dst(%arg8 : memref<4x128xi32, #tpu.memory_space<vmem>>)
      tpu.yield
    }) : () -> ()
    %mul3A_3 = arith.constant 4 : i32
    %mul3A_4 = arith.muli %add3A, %mul3A_3 : i32
    "tpu.region"() ({
      %run_scoped3A = tpu.sem_alloc : memref<!tpu.dma_semaphore, #tpu.memory_space<semaphore_mem>>
      %dma_start3A_240 = arith.constant 0 : i32
      %dma_start3A_241 = tpu.memref_slice %arg3[%mul3A_4, %dma_start3A_240] : memref<128x128xi32, #tpu.memory_space<hbm>> -> memref<4x128xi32, #tpu.memory_space<hbm>>
      %dma_start3A_242 = arith.constant 0 : i32
      %dma_start3A_243 = tpu.memref_slice %arg3[%mul3A_4, %dma_start3A_242] : memref<128x128xi32, #tpu.memory_space<hbm>> -> memref<4x128xi32, #tpu.memory_space<hbm>>
      tpu.enqueue_dma source(%dma_start3A_243 : memref<4x128xi32, #tpu.memory_space<hbm>>) target(%arg9 : memref<4x128xi32, #tpu.memory_space<vmem>>) target_semaphore(%run_scoped3A : memref<!tpu.dma_semaphore, #tpu.memory_space<semaphore_mem>>)
      %dma_wait3A_244 = arith.constant 0 : i32
      %dma_wait3A_245 = tpu.memref_slice %arg3[%mul3A_4, %dma_wait3A_244] : memref<128x128xi32, #tpu.memory_space<hbm>> -> memref<4x128xi32, #tpu.memory_space<hbm>>
      %dma_wait3A_246 = arith.constant 0 : i32
      %dma_wait3A_247 = tpu.memref_slice %arg3[%mul3A_4, %dma_wait3A_246] : memref<128x128xi32, #tpu.memory_space<hbm>> -> memref<4x128xi32, #tpu.memory_space<hbm>>
      tpu.wait_dma2 semaphore(%run_scoped3A : memref<!tpu.dma_semaphore, #tpu.memory_space<semaphore_mem>>) src(%dma_wait3A_247 : memref<4x128xi32, #tpu.memory_space<hbm>>) dst(%arg9 : memref<4x128xi32, #tpu.memory_space<vmem>>)
      tpu.yield
    }) : () -> ()
    "tpu.region"() ({
      %run_scoped3A = tpu.sem_alloc : memref<!tpu.dma_semaphore, #tpu.memory_space<semaphore_mem>>
      tpu.enqueue_dma source(%arg6 : memref<5x16xf32, #tpu.memory_space<hbm>>) target(%arg12 : memref<5x16xf32, #tpu.memory_space<vmem>>) target_semaphore(%run_scoped3A : memref<!tpu.dma_semaphore, #tpu.memory_space<semaphore_mem>>)
      tpu.wait_dma2 semaphore(%run_scoped3A : memref<!tpu.dma_semaphore, #tpu.memory_space<semaphore_mem>>) src(%arg6 : memref<5x16xf32, #tpu.memory_space<hbm>>) dst(%arg12 : memref<5x16xf32, #tpu.memory_space<vmem>>)
      tpu.yield
    }) : () -> ()
    %dma_start3A = arith.constant 0 : i32
    %dma_start3A_5 = arith.constant 0 : i32
    %dma_start3A_6 = arith.constant 0 : i32
    %dma_start3A_7 = tpu.memref_slice %arg10[%dma_start3A_5, %dma_start3A_6] : memref<512x32xf32, #tpu.memory_space<vmem>> -> memref<128x32xf32, #tpu.memory_space<vmem>>
    %dma_start3A_8 = arith.constant 0 : i32
    %dma_start3A_9 = tpu.memref_slice %arg8[%dma_start3A, %dma_start3A_8] : memref<4x128xi32, #tpu.memory_space<vmem>> -> memref<1x128xi32, #tpu.memory_space<vmem>>
    %dma_start3A_10 = tpu.memref_squeeze %dma_start3A_9 : memref<1x128xi32, #tpu.memory_space<vmem>> -> memref<128xi32, #tpu.memory_space<vmem>>
    %dma_start3A_11 = arith.constant 0 : i32
    %dma_start3A_12 = arith.constant 0 : i32
    %dma_start3A_13 = tpu.memref_slice %arg4[%dma_start3A_11, %dma_start3A_12] : memref<1000000x32xf32, #tpu.memory_space<hbm>> -> memref<1000000x32xf32, #tpu.memory_space<hbm>>
    tpu.enqueue_indirect_dma source(%dma_start3A_13 : memref<1000000x32xf32, #tpu.memory_space<hbm>>) target(%dma_start3A_7 : memref<128x32xf32, #tpu.memory_space<vmem>>) offsets(%dma_start3A_10 : memref<128xi32, #tpu.memory_space<vmem>>) semaphore(%arg14 : memref<!tpu.dma_semaphore, #tpu.memory_space<semaphore_mem>>)
    %dma_start3A_14 = arith.constant 0 : i32
    %dma_start3A_15 = arith.constant 0 : i32
    %dma_start3A_16 = arith.constant 0 : i32
    %dma_start3A_17 = tpu.memref_slice %arg11[%dma_start3A_15, %dma_start3A_16] : memref<512x32xf32, #tpu.memory_space<vmem>> -> memref<128x32xf32, #tpu.memory_space<vmem>>
    %dma_start3A_18 = arith.constant 0 : i32
    %dma_start3A_19 = tpu.memref_slice %arg9[%dma_start3A_14, %dma_start3A_18] : memref<4x128xi32, #tpu.memory_space<vmem>> -> memref<1x128xi32, #tpu.memory_space<vmem>>
    %dma_start3A_20 = tpu.memref_squeeze %dma_start3A_19 : memref<1x128xi32, #tpu.memory_space<vmem>> -> memref<128xi32, #tpu.memory_space<vmem>>
    %dma_start3A_21 = arith.constant 0 : i32
    %dma_start3A_22 = arith.constant 0 : i32
    %dma_start3A_23 = tpu.memref_slice %arg5[%dma_start3A_21, %dma_start3A_22] : memref<100000x32xf32, #tpu.memory_space<hbm>> -> memref<100000x32xf32, #tpu.memory_space<hbm>>
    tpu.enqueue_indirect_dma source(%dma_start3A_23 : memref<100000x32xf32, #tpu.memory_space<hbm>>) target(%dma_start3A_17 : memref<128x32xf32, #tpu.memory_space<vmem>>) offsets(%dma_start3A_20 : memref<128xi32, #tpu.memory_space<vmem>>) semaphore(%arg14 : memref<!tpu.dma_semaphore, #tpu.memory_space<semaphore_mem>>)
    %dma_start3A_24 = arith.constant 1 : i32
    %dma_start3A_25 = arith.constant 128 : i32
    %dma_start3A_26 = arith.constant 0 : i32
    %dma_start3A_27 = tpu.memref_slice %arg10[%dma_start3A_25, %dma_start3A_26] : memref<512x32xf32, #tpu.memory_space<vmem>> -> memref<128x32xf32, #tpu.memory_space<vmem>>
    %dma_start3A_28 = arith.constant 0 : i32
    %dma_start3A_29 = tpu.memref_slice %arg8[%dma_start3A_24, %dma_start3A_28] : memref<4x128xi32, #tpu.memory_space<vmem>> -> memref<1x128xi32, #tpu.memory_space<vmem>>
    %dma_start3A_30 = tpu.memref_squeeze %dma_start3A_29 : memref<1x128xi32, #tpu.memory_space<vmem>> -> memref<128xi32, #tpu.memory_space<vmem>>
    %dma_start3A_31 = arith.constant 0 : i32
    %dma_start3A_32 = arith.constant 0 : i32
    %dma_start3A_33 = tpu.memref_slice %arg4[%dma_start3A_31, %dma_start3A_32] : memref<1000000x32xf32, #tpu.memory_space<hbm>> -> memref<1000000x32xf32, #tpu.memory_space<hbm>>
    tpu.enqueue_indirect_dma source(%dma_start3A_33 : memref<1000000x32xf32, #tpu.memory_space<hbm>>) target(%dma_start3A_27 : memref<128x32xf32, #tpu.memory_space<vmem>>) offsets(%dma_start3A_30 : memref<128xi32, #tpu.memory_space<vmem>>) semaphore(%arg14 : memref<!tpu.dma_semaphore, #tpu.memory_space<semaphore_mem>>)
    %dma_start3A_34 = arith.constant 1 : i32
    %dma_start3A_35 = arith.constant 128 : i32
    %dma_start3A_36 = arith.constant 0 : i32
    %dma_start3A_37 = tpu.memref_slice %arg11[%dma_start3A_35, %dma_start3A_36] : memref<512x32xf32, #tpu.memory_space<vmem>> -> memref<128x32xf32, #tpu.memory_space<vmem>>
    %dma_start3A_38 = arith.constant 0 : i32
    %dma_start3A_39 = tpu.memref_slice %arg9[%dma_start3A_34, %dma_start3A_38] : memref<4x128xi32, #tpu.memory_space<vmem>> -> memref<1x128xi32, #tpu.memory_space<vmem>>
    %dma_start3A_40 = tpu.memref_squeeze %dma_start3A_39 : memref<1x128xi32, #tpu.memory_space<vmem>> -> memref<128xi32, #tpu.memory_space<vmem>>
    %dma_start3A_41 = arith.constant 0 : i32
    %dma_start3A_42 = arith.constant 0 : i32
    %dma_start3A_43 = tpu.memref_slice %arg5[%dma_start3A_41, %dma_start3A_42] : memref<100000x32xf32, #tpu.memory_space<hbm>> -> memref<100000x32xf32, #tpu.memory_space<hbm>>
    tpu.enqueue_indirect_dma source(%dma_start3A_43 : memref<100000x32xf32, #tpu.memory_space<hbm>>) target(%dma_start3A_37 : memref<128x32xf32, #tpu.memory_space<vmem>>) offsets(%dma_start3A_40 : memref<128xi32, #tpu.memory_space<vmem>>) semaphore(%arg14 : memref<!tpu.dma_semaphore, #tpu.memory_space<semaphore_mem>>)
    %dma_start3A_44 = arith.constant 2 : i32
    %dma_start3A_45 = arith.constant 256 : i32
    %dma_start3A_46 = arith.constant 0 : i32
    %dma_start3A_47 = tpu.memref_slice %arg10[%dma_start3A_45, %dma_start3A_46] : memref<512x32xf32, #tpu.memory_space<vmem>> -> memref<128x32xf32, #tpu.memory_space<vmem>>
    %dma_start3A_48 = arith.constant 0 : i32
    %dma_start3A_49 = tpu.memref_slice %arg8[%dma_start3A_44, %dma_start3A_48] : memref<4x128xi32, #tpu.memory_space<vmem>> -> memref<1x128xi32, #tpu.memory_space<vmem>>
    %dma_start3A_50 = tpu.memref_squeeze %dma_start3A_49 : memref<1x128xi32, #tpu.memory_space<vmem>> -> memref<128xi32, #tpu.memory_space<vmem>>
    %dma_start3A_51 = arith.constant 0 : i32
    %dma_start3A_52 = arith.constant 0 : i32
    %dma_start3A_53 = tpu.memref_slice %arg4[%dma_start3A_51, %dma_start3A_52] : memref<1000000x32xf32, #tpu.memory_space<hbm>> -> memref<1000000x32xf32, #tpu.memory_space<hbm>>
    tpu.enqueue_indirect_dma source(%dma_start3A_53 : memref<1000000x32xf32, #tpu.memory_space<hbm>>) target(%dma_start3A_47 : memref<128x32xf32, #tpu.memory_space<vmem>>) offsets(%dma_start3A_50 : memref<128xi32, #tpu.memory_space<vmem>>) semaphore(%arg14 : memref<!tpu.dma_semaphore, #tpu.memory_space<semaphore_mem>>)
    %dma_start3A_54 = arith.constant 2 : i32
    %dma_start3A_55 = arith.constant 256 : i32
    %dma_start3A_56 = arith.constant 0 : i32
    %dma_start3A_57 = tpu.memref_slice %arg11[%dma_start3A_55, %dma_start3A_56] : memref<512x32xf32, #tpu.memory_space<vmem>> -> memref<128x32xf32, #tpu.memory_space<vmem>>
    %dma_start3A_58 = arith.constant 0 : i32
    %dma_start3A_59 = tpu.memref_slice %arg9[%dma_start3A_54, %dma_start3A_58] : memref<4x128xi32, #tpu.memory_space<vmem>> -> memref<1x128xi32, #tpu.memory_space<vmem>>
    %dma_start3A_60 = tpu.memref_squeeze %dma_start3A_59 : memref<1x128xi32, #tpu.memory_space<vmem>> -> memref<128xi32, #tpu.memory_space<vmem>>
    %dma_start3A_61 = arith.constant 0 : i32
    %dma_start3A_62 = arith.constant 0 : i32
    %dma_start3A_63 = tpu.memref_slice %arg5[%dma_start3A_61, %dma_start3A_62] : memref<100000x32xf32, #tpu.memory_space<hbm>> -> memref<100000x32xf32, #tpu.memory_space<hbm>>
    tpu.enqueue_indirect_dma source(%dma_start3A_63 : memref<100000x32xf32, #tpu.memory_space<hbm>>) target(%dma_start3A_57 : memref<128x32xf32, #tpu.memory_space<vmem>>) offsets(%dma_start3A_60 : memref<128xi32, #tpu.memory_space<vmem>>) semaphore(%arg14 : memref<!tpu.dma_semaphore, #tpu.memory_space<semaphore_mem>>)
    %dma_start3A_64 = arith.constant 3 : i32
    %dma_start3A_65 = arith.constant 384 : i32
    %dma_start3A_66 = arith.constant 0 : i32
    %dma_start3A_67 = tpu.memref_slice %arg10[%dma_start3A_65, %dma_start3A_66] : memref<512x32xf32, #tpu.memory_space<vmem>> -> memref<128x32xf32, #tpu.memory_space<vmem>>
    %dma_start3A_68 = arith.constant 0 : i32
    %dma_start3A_69 = tpu.memref_slice %arg8[%dma_start3A_64, %dma_start3A_68] : memref<4x128xi32, #tpu.memory_space<vmem>> -> memref<1x128xi32, #tpu.memory_space<vmem>>
    %dma_start3A_70 = tpu.memref_squeeze %dma_start3A_69 : memref<1x128xi32, #tpu.memory_space<vmem>> -> memref<128xi32, #tpu.memory_space<vmem>>
    %dma_start3A_71 = arith.constant 0 : i32
    %dma_start3A_72 = arith.constant 0 : i32
    %dma_start3A_73 = tpu.memref_slice %arg4[%dma_start3A_71, %dma_start3A_72] : memref<1000000x32xf32, #tpu.memory_space<hbm>> -> memref<1000000x32xf32, #tpu.memory_space<hbm>>
    tpu.enqueue_indirect_dma source(%dma_start3A_73 : memref<1000000x32xf32, #tpu.memory_space<hbm>>) target(%dma_start3A_67 : memref<128x32xf32, #tpu.memory_space<vmem>>) offsets(%dma_start3A_70 : memref<128xi32, #tpu.memory_space<vmem>>) semaphore(%arg14 : memref<!tpu.dma_semaphore, #tpu.memory_space<semaphore_mem>>)
    %dma_start3A_74 = arith.constant 3 : i32
    %dma_start3A_75 = arith.constant 384 : i32
    %dma_start3A_76 = arith.constant 0 : i32
    %dma_start3A_77 = tpu.memref_slice %arg11[%dma_start3A_75, %dma_start3A_76] : memref<512x32xf32, #tpu.memory_space<vmem>> -> memref<128x32xf32, #tpu.memory_space<vmem>>
    %dma_start3A_78 = arith.constant 0 : i32
    %dma_start3A_79 = tpu.memref_slice %arg9[%dma_start3A_74, %dma_start3A_78] : memref<4x128xi32, #tpu.memory_space<vmem>> -> memref<1x128xi32, #tpu.memory_space<vmem>>
    %dma_start3A_80 = tpu.memref_squeeze %dma_start3A_79 : memref<1x128xi32, #tpu.memory_space<vmem>> -> memref<128xi32, #tpu.memory_space<vmem>>
    %dma_start3A_81 = arith.constant 0 : i32
    %dma_start3A_82 = arith.constant 0 : i32
    %dma_start3A_83 = tpu.memref_slice %arg5[%dma_start3A_81, %dma_start3A_82] : memref<100000x32xf32, #tpu.memory_space<hbm>> -> memref<100000x32xf32, #tpu.memory_space<hbm>>
    tpu.enqueue_indirect_dma source(%dma_start3A_83 : memref<100000x32xf32, #tpu.memory_space<hbm>>) target(%dma_start3A_77 : memref<128x32xf32, #tpu.memory_space<vmem>>) offsets(%dma_start3A_80 : memref<128xi32, #tpu.memory_space<vmem>>) semaphore(%arg14 : memref<!tpu.dma_semaphore, #tpu.memory_space<semaphore_mem>>)
    %dma_wait3A = arith.constant 0 : i32
    %dma_wait3A_84 = arith.constant 0 : i32
    %dma_wait3A_85 = arith.constant 0 : i32
    %dma_wait3A_86 = tpu.memref_slice %arg10[%dma_wait3A_84, %dma_wait3A_85] : memref<512x32xf32, #tpu.memory_space<vmem>> -> memref<128x32xf32, #tpu.memory_space<vmem>>
    %dma_wait3A_87 = arith.constant 0 : i32
    %dma_wait3A_88 = tpu.memref_slice %arg8[%dma_wait3A, %dma_wait3A_87] : memref<4x128xi32, #tpu.memory_space<vmem>> -> memref<1x128xi32, #tpu.memory_space<vmem>>
    %dma_wait3A_89 = tpu.memref_squeeze %dma_wait3A_88 : memref<1x128xi32, #tpu.memory_space<vmem>> -> memref<128xi32, #tpu.memory_space<vmem>>
    %dma_wait3A_90 = arith.constant 0 : i32
    %dma_wait3A_91 = arith.constant 0 : i32
    %dma_wait3A_92 = tpu.memref_slice %arg4[%dma_wait3A_90, %dma_wait3A_91] : memref<1000000x32xf32, #tpu.memory_space<hbm>> -> memref<1000000x32xf32, #tpu.memory_space<hbm>>
    tpu.wait_indirect_dma semaphore(%arg14 : memref<!tpu.dma_semaphore, #tpu.memory_space<semaphore_mem>>) src(%dma_wait3A_92 : memref<1000000x32xf32, #tpu.memory_space<hbm>>) dst(%dma_wait3A_86 : memref<128x32xf32, #tpu.memory_space<vmem>>)
    %dma_wait3A_93 = arith.constant 0 : i32
    %dma_wait3A_94 = arith.constant 0 : i32
    %dma_wait3A_95 = arith.constant 0 : i32
    %dma_wait3A_96 = tpu.memref_slice %arg11[%dma_wait3A_94, %dma_wait3A_95] : memref<512x32xf32, #tpu.memory_space<vmem>> -> memref<128x32xf32, #tpu.memory_space<vmem>>
    %dma_wait3A_97 = arith.constant 0 : i32
    %dma_wait3A_98 = tpu.memref_slice %arg9[%dma_wait3A_93, %dma_wait3A_97] : memref<4x128xi32, #tpu.memory_space<vmem>> -> memref<1x128xi32, #tpu.memory_space<vmem>>
    %dma_wait3A_99 = tpu.memref_squeeze %dma_wait3A_98 : memref<1x128xi32, #tpu.memory_space<vmem>> -> memref<128xi32, #tpu.memory_space<vmem>>
    %dma_wait3A_100 = arith.constant 0 : i32
    %dma_wait3A_101 = arith.constant 0 : i32
    %dma_wait3A_102 = tpu.memref_slice %arg5[%dma_wait3A_100, %dma_wait3A_101] : memref<100000x32xf32, #tpu.memory_space<hbm>> -> memref<100000x32xf32, #tpu.memory_space<hbm>>
    tpu.wait_indirect_dma semaphore(%arg14 : memref<!tpu.dma_semaphore, #tpu.memory_space<semaphore_mem>>) src(%dma_wait3A_102 : memref<100000x32xf32, #tpu.memory_space<hbm>>) dst(%dma_wait3A_96 : memref<128x32xf32, #tpu.memory_space<vmem>>)
    %dma_wait3A_103 = arith.constant 1 : i32
    %dma_wait3A_104 = arith.constant 128 : i32
    %dma_wait3A_105 = arith.constant 0 : i32
    %dma_wait3A_106 = tpu.memref_slice %arg10[%dma_wait3A_104, %dma_wait3A_105] : memref<512x32xf32, #tpu.memory_space<vmem>> -> memref<128x32xf32, #tpu.memory_space<vmem>>
    %dma_wait3A_107 = arith.constant 0 : i32
    %dma_wait3A_108 = tpu.memref_slice %arg8[%dma_wait3A_103, %dma_wait3A_107] : memref<4x128xi32, #tpu.memory_space<vmem>> -> memref<1x128xi32, #tpu.memory_space<vmem>>
    %dma_wait3A_109 = tpu.memref_squeeze %dma_wait3A_108 : memref<1x128xi32, #tpu.memory_space<vmem>> -> memref<128xi32, #tpu.memory_space<vmem>>
    %dma_wait3A_110 = arith.constant 0 : i32
    %dma_wait3A_111 = arith.constant 0 : i32
    %dma_wait3A_112 = tpu.memref_slice %arg4[%dma_wait3A_110, %dma_wait3A_111] : memref<1000000x32xf32, #tpu.memory_space<hbm>> -> memref<1000000x32xf32, #tpu.memory_space<hbm>>
    tpu.wait_indirect_dma semaphore(%arg14 : memref<!tpu.dma_semaphore, #tpu.memory_space<semaphore_mem>>) src(%dma_wait3A_112 : memref<1000000x32xf32, #tpu.memory_space<hbm>>) dst(%dma_wait3A_106 : memref<128x32xf32, #tpu.memory_space<vmem>>)
    %dma_wait3A_113 = arith.constant 1 : i32
    %dma_wait3A_114 = arith.constant 128 : i32
    %dma_wait3A_115 = arith.constant 0 : i32
    %dma_wait3A_116 = tpu.memref_slice %arg11[%dma_wait3A_114, %dma_wait3A_115] : memref<512x32xf32, #tpu.memory_space<vmem>> -> memref<128x32xf32, #tpu.memory_space<vmem>>
    %dma_wait3A_117 = arith.constant 0 : i32
    %dma_wait3A_118 = tpu.memref_slice %arg9[%dma_wait3A_113, %dma_wait3A_117] : memref<4x128xi32, #tpu.memory_space<vmem>> -> memref<1x128xi32, #tpu.memory_space<vmem>>
    %dma_wait3A_119 = tpu.memref_squeeze %dma_wait3A_118 : memref<1x128xi32, #tpu.memory_space<vmem>> -> memref<128xi32, #tpu.memory_space<vmem>>
    %dma_wait3A_120 = arith.constant 0 : i32
    %dma_wait3A_121 = arith.constant 0 : i32
    %dma_wait3A_122 = tpu.memref_slice %arg5[%dma_wait3A_120, %dma_wait3A_121] : memref<100000x32xf32, #tpu.memory_space<hbm>> -> memref<100000x32xf32, #tpu.memory_space<hbm>>
    tpu.wait_indirect_dma semaphore(%arg14 : memref<!tpu.dma_semaphore, #tpu.memory_space<semaphore_mem>>) src(%dma_wait3A_122 : memref<100000x32xf32, #tpu.memory_space<hbm>>) dst(%dma_wait3A_116 : memref<128x32xf32, #tpu.memory_space<vmem>>)
    %dma_wait3A_123 = arith.constant 2 : i32
    %dma_wait3A_124 = arith.constant 256 : i32
    %dma_wait3A_125 = arith.constant 0 : i32
    %dma_wait3A_126 = tpu.memref_slice %arg10[%dma_wait3A_124, %dma_wait3A_125] : memref<512x32xf32, #tpu.memory_space<vmem>> -> memref<128x32xf32, #tpu.memory_space<vmem>>
    %dma_wait3A_127 = arith.constant 0 : i32
    %dma_wait3A_128 = tpu.memref_slice %arg8[%dma_wait3A_123, %dma_wait3A_127] : memref<4x128xi32, #tpu.memory_space<vmem>> -> memref<1x128xi32, #tpu.memory_space<vmem>>
    %dma_wait3A_129 = tpu.memref_squeeze %dma_wait3A_128 : memref<1x128xi32, #tpu.memory_space<vmem>> -> memref<128xi32, #tpu.memory_space<vmem>>
    %dma_wait3A_130 = arith.constant 0 : i32
    %dma_wait3A_131 = arith.constant 0 : i32
    %dma_wait3A_132 = tpu.memref_slice %arg4[%dma_wait3A_130, %dma_wait3A_131] : memref<1000000x32xf32, #tpu.memory_space<hbm>> -> memref<1000000x32xf32, #tpu.memory_space<hbm>>
    tpu.wait_indirect_dma semaphore(%arg14 : memref<!tpu.dma_semaphore, #tpu.memory_space<semaphore_mem>>) src(%dma_wait3A_132 : memref<1000000x32xf32, #tpu.memory_space<hbm>>) dst(%dma_wait3A_126 : memref<128x32xf32, #tpu.memory_space<vmem>>)
    %dma_wait3A_133 = arith.constant 2 : i32
    %dma_wait3A_134 = arith.constant 256 : i32
    %dma_wait3A_135 = arith.constant 0 : i32
    %dma_wait3A_136 = tpu.memref_slice %arg11[%dma_wait3A_134, %dma_wait3A_135] : memref<512x32xf32, #tpu.memory_space<vmem>> -> memref<128x32xf32, #tpu.memory_space<vmem>>
    %dma_wait3A_137 = arith.constant 0 : i32
    %dma_wait3A_138 = tpu.memref_slice %arg9[%dma_wait3A_133, %dma_wait3A_137] : memref<4x128xi32, #tpu.memory_space<vmem>> -> memref<1x128xi32, #tpu.memory_space<vmem>>
    %dma_wait3A_139 = tpu.memref_squeeze %dma_wait3A_138 : memref<1x128xi32, #tpu.memory_space<vmem>> -> memref<128xi32, #tpu.memory_space<vmem>>
    %dma_wait3A_140 = arith.constant 0 : i32
    %dma_wait3A_141 = arith.constant 0 : i32
    %dma_wait3A_142 = tpu.memref_slice %arg5[%dma_wait3A_140, %dma_wait3A_141] : memref<100000x32xf32, #tpu.memory_space<hbm>> -> memref<100000x32xf32, #tpu.memory_space<hbm>>
    tpu.wait_indirect_dma semaphore(%arg14 : memref<!tpu.dma_semaphore, #tpu.memory_space<semaphore_mem>>) src(%dma_wait3A_142 : memref<100000x32xf32, #tpu.memory_space<hbm>>) dst(%dma_wait3A_136 : memref<128x32xf32, #tpu.memory_space<vmem>>)
    %dma_wait3A_143 = arith.constant 3 : i32
    %dma_wait3A_144 = arith.constant 384 : i32
    %dma_wait3A_145 = arith.constant 0 : i32
    %dma_wait3A_146 = tpu.memref_slice %arg10[%dma_wait3A_144, %dma_wait3A_145] : memref<512x32xf32, #tpu.memory_space<vmem>> -> memref<128x32xf32, #tpu.memory_space<vmem>>
    %dma_wait3A_147 = arith.constant 0 : i32
    %dma_wait3A_148 = tpu.memref_slice %arg8[%dma_wait3A_143, %dma_wait3A_147] : memref<4x128xi32, #tpu.memory_space<vmem>> -> memref<1x128xi32, #tpu.memory_space<vmem>>
    %dma_wait3A_149 = tpu.memref_squeeze %dma_wait3A_148 : memref<1x128xi32, #tpu.memory_space<vmem>> -> memref<128xi32, #tpu.memory_space<vmem>>
    %dma_wait3A_150 = arith.constant 0 : i32
    %dma_wait3A_151 = arith.constant 0 : i32
    %dma_wait3A_152 = tpu.memref_slice %arg4[%dma_wait3A_150, %dma_wait3A_151] : memref<1000000x32xf32, #tpu.memory_space<hbm>> -> memref<1000000x32xf32, #tpu.memory_space<hbm>>
    tpu.wait_indirect_dma semaphore(%arg14 : memref<!tpu.dma_semaphore, #tpu.memory_space<semaphore_mem>>) src(%dma_wait3A_152 : memref<1000000x32xf32, #tpu.memory_space<hbm>>) dst(%dma_wait3A_146 : memref<128x32xf32, #tpu.memory_space<vmem>>)
    %dma_wait3A_153 = arith.constant 3 : i32
    %dma_wait3A_154 = arith.constant 384 : i32
    %dma_wait3A_155 = arith.constant 0 : i32
    %dma_wait3A_156 = tpu.memref_slice %arg11[%dma_wait3A_154, %dma_wait3A_155] : memref<512x32xf32, #tpu.memory_space<vmem>> -> memref<128x32xf32, #tpu.memory_space<vmem>>
    %dma_wait3A_157 = arith.constant 0 : i32
    %dma_wait3A_158 = tpu.memref_slice %arg9[%dma_wait3A_153, %dma_wait3A_157] : memref<4x128xi32, #tpu.memory_space<vmem>> -> memref<1x128xi32, #tpu.memory_space<vmem>>
    %dma_wait3A_159 = tpu.memref_squeeze %dma_wait3A_158 : memref<1x128xi32, #tpu.memory_space<vmem>> -> memref<128xi32, #tpu.memory_space<vmem>>
    %dma_wait3A_160 = arith.constant 0 : i32
    %dma_wait3A_161 = arith.constant 0 : i32
    %dma_wait3A_162 = tpu.memref_slice %arg5[%dma_wait3A_160, %dma_wait3A_161] : memref<100000x32xf32, #tpu.memory_space<hbm>> -> memref<100000x32xf32, #tpu.memory_space<hbm>>
    tpu.wait_indirect_dma semaphore(%arg14 : memref<!tpu.dma_semaphore, #tpu.memory_space<semaphore_mem>>) src(%dma_wait3A_162 : memref<100000x32xf32, #tpu.memory_space<hbm>>) dst(%dma_wait3A_156 : memref<128x32xf32, #tpu.memory_space<vmem>>)
    %get3A = arith.constant 0 : i32
    %get3A_163 = arith.index_cast %get3A : i32 to index
    %get3A_164 = arith.constant 0 : index
    %get3A_165 = tpu.vector_load %arg12[%get3A_163, %get3A_164] {strides = array<i32>} : memref<5x16xf32, #tpu.memory_space<vmem>>, vector<1x16xf32>,
    %get3A_166 = vector.shape_cast %get3A_165 : vector<1x16xf32> to vector<16xf32>
    %get3A_167 = arith.constant 1 : i32
    %get3A_168 = arith.index_cast %get3A_167 : i32 to index
    %get3A_169 = arith.constant 0 : index
    %get3A_170 = tpu.vector_load %arg12[%get3A_168, %get3A_169] {strides = array<i32>} : memref<5x16xf32, #tpu.memory_space<vmem>>, vector<1x16xf32>,
    %get3A_171 = vector.shape_cast %get3A_170 : vector<1x16xf32> to vector<16xf32>
    %get3A_172 = arith.constant 2 : i32
    %get3A_173 = arith.index_cast %get3A_172 : i32 to index
    %get3A_174 = arith.constant 0 : index
    %get3A_175 = tpu.vector_load %arg12[%get3A_173, %get3A_174] {strides = array<i32>} : memref<5x16xf32, #tpu.memory_space<vmem>>, vector<1x16xf32>,
    %get3A_176 = vector.shape_cast %get3A_175 : vector<1x16xf32> to vector<16xf32>
    %get3A_177 = arith.constant 3 : i32
    %get3A_178 = arith.index_cast %get3A_177 : i32 to index
    %get3A_179 = arith.constant 0 : index
    %get3A_180 = tpu.vector_load %arg12[%get3A_178, %get3A_179] {strides = array<i32>} : memref<5x16xf32, #tpu.memory_space<vmem>>, vector<1x16xf32>,
    %get3A_181 = vector.shape_cast %get3A_180 : vector<1x16xf32> to vector<16xf32>
    %get3A_182 = arith.constant 4 : i32
    %get3A_183 = arith.index_cast %get3A_182 : i32 to index
    %get3A_184 = arith.constant 0 : index
    %get3A_185 = tpu.vector_load %arg12[%get3A_183, %get3A_184] {strides = array<i32>} : memref<5x16xf32, #tpu.memory_space<vmem>>, vector<1x16xf32>,
    %get3A_186 = vector.shape_cast %get3A_185 : vector<1x16xf32> to vector<16xf32>
    %iota3A = tpu.iota {dimensions = array<i32: 0>} : vector<16xi32>
    %shift_right_arithmetic3A = arith.constant 0 : i32
    %shift_right_arithmetic3A_187 = vector.broadcast %shift_right_arithmetic3A : i32 to vector<16xi32>
    %shift_right_arithmetic3A_188 = arith.shrsi %iota3A, %shift_right_arithmetic3A_187 : vector<16xi32>
    %and3A = arith.constant 1 : i32
    %and3A_189 = vector.broadcast %and3A : i32 to vector<16xi32>
    %and3A_190 = arith.andi %shift_right_arithmetic3A_188, %and3A_189 : vector<16xi32>
    %eq3A = arith.constant 1 : i32
    %eq3A_191 = vector.broadcast %eq3A : i32 to vector<16xi32>
    %eq3A_192 = arith.cmpi eq, %and3A_190, %eq3A_191 : vector<16xi32>
    %shift_right_arithmetic3A_193 = arith.constant 1 : i32
    %shift_right_arithmetic3A_194 = vector.broadcast %shift_right_arithmetic3A_193 : i32 to vector<16xi32>
    %shift_right_arithmetic3A_195 = arith.shrsi %iota3A, %shift_right_arithmetic3A_194 : vector<16xi32>
    %and3A_196 = arith.constant 1 : i32
    %and3A_197 = vector.broadcast %and3A_196 : i32 to vector<16xi32>
    %and3A_198 = arith.andi %shift_right_arithmetic3A_195, %and3A_197 : vector<16xi32>
    %eq3A_199 = arith.constant 1 : i32
    %eq3A_200 = vector.broadcast %eq3A_199 : i32 to vector<16xi32>
    %eq3A_201 = arith.cmpi eq, %and3A_198, %eq3A_200 : vector<16xi32>
    %shift_right_arithmetic3A_202 = arith.constant 2 : i32
    %shift_right_arithmetic3A_203 = vector.broadcast %shift_right_arithmetic3A_202 : i32 to vector<16xi32>
    %shift_right_arithmetic3A_204 = arith.shrsi %iota3A, %shift_right_arithmetic3A_203 : vector<16xi32>
    %and3A_205 = arith.constant 1 : i32
    %and3A_206 = vector.broadcast %and3A_205 : i32 to vector<16xi32>
    %and3A_207 = arith.andi %shift_right_arithmetic3A_204, %and3A_206 : vector<16xi32>
    %eq3A_208 = arith.constant 1 : i32
    %eq3A_209 = vector.broadcast %eq3A_208 : i32 to vector<16xi32>
    %eq3A_210 = arith.cmpi eq, %and3A_207, %eq3A_209 : vector<16xi32>
    %shift_right_arithmetic3A_211 = arith.constant 3 : i32
    %shift_right_arithmetic3A_212 = vector.broadcast %shift_right_arithmetic3A_211 : i32 to vector<16xi32>
    %shift_right_arithmetic3A_213 = arith.shrsi %iota3A, %shift_right_arithmetic3A_212 : vector<16xi32>
    %and3A_214 = arith.constant 1 : i32
    %and3A_215 = vector.broadcast %and3A_214 : i32 to vector<16xi32>
    %and3A_216 = arith.andi %shift_right_arithmetic3A_213, %and3A_215 : vector<16xi32>
    %eq3A_217 = arith.constant 1 : i32
    %eq3A_218 = vector.broadcast %eq3A_217 : i32 to vector<16xi32>
    %eq3A_219 = arith.cmpi eq, %and3A_216, %eq3A_218 : vector<16xi32>
    %xor3A = arith.constant 1 : i32
    %xor3A_220 = vector.broadcast %xor3A : i32 to vector<16xi32>
    %xor3A_221 = arith.xori %iota3A, %xor3A_220 : vector<16xi32>
    %xor3A_222 = arith.constant 2 : i32
    %xor3A_223 = vector.broadcast %xor3A_222 : i32 to vector<16xi32>
    %xor3A_224 = arith.xori %iota3A, %xor3A_223 : vector<16xi32>
    %xor3A_225 = arith.constant 4 : i32
    %xor3A_226 = vector.broadcast %xor3A_225 : i32 to vector<16xi32>
    %xor3A_227 = arith.xori %iota3A, %xor3A_226 : vector<16xi32>
    %xor3A_228 = arith.constant 8 : i32
    %xor3A_229 = vector.broadcast %xor3A_228 : i32 to vector<16xi32>
    %xor3A_230 = arith.xori %iota3A, %xor3A_229 : vector<16xi32>
    %scan3A = arith.constant 0 : i32
    %scan3A_231 = arith.constant 0 : i32
    %scan3A_232 = arith.constant 32 : i32
    %scan3A_233 = arith.addi %scan3A_231, %scan3A_232 : i32
    %scan3A_234 = arith.constant 1 : i32
    scf.for %scan3A_240 = %scan3A_231 to %scan3A_233 step %scan3A_234  : i32 {
      %mul3A_241 = arith.constant 16 : i32
      %mul3A_242 = arith.muli %scan3A_240, %mul3A_241 : i32
      %add3A_243 = arith.constant 0 : i32
      %add3A_244 = arith.addi %mul3A_242, %add3A_243 : i32
      %get3A_245 = arith.index_cast %add3A_244 : i32 to index
      %get3A_246 = arith.constant 0 : index
      %get3A_247 = tpu.vector_load %arg10[%get3A_245, %get3A_246] {strides = array<i32>} : memref<512x32xf32, #tpu.memory_space<vmem>>, vector<1x16xf32>,
      %get3A_248 = vector.shape_cast %get3A_247 : vector<1x16xf32> to vector<16xf32>
      %mul3A_249 = arith.mulf %get3A_248, %get3A_166 : vector<16xf32>
      %get3A_250 = arith.index_cast %add3A_244 : i32 to index
      %get3A_251 = arith.constant 16 : index
      %get3A_252 = tpu.vector_load %arg10[%get3A_250, %get3A_251] {strides = array<i32>} : memref<512x32xf32, #tpu.memory_space<vmem>>, vector<1x16xf32>,
      %get3A_253 = vector.shape_cast %get3A_252 : vector<1x16xf32> to vector<16xf32>
      %mul3A_254 = arith.mulf %get3A_253, %get3A_171 : vector<16xf32>
      %add3A_255 = arith.addf %mul3A_249, %mul3A_254 : vector<16xf32>
      %get3A_256 = arith.index_cast %add3A_244 : i32 to index
      %get3A_257 = arith.constant 0 : index
      %get3A_258 = tpu.vector_load %arg11[%get3A_256, %get3A_257] {strides = array<i32>} : memref<512x32xf32, #tpu.memory_space<vmem>>, vector<1x16xf32>,
      %get3A_259 = vector.shape_cast %get3A_258 : vector<1x16xf32> to vector<16xf32>
      %mul3A_260 = arith.mulf %get3A_259, %get3A_176 : vector<16xf32>
      %add3A_261 = arith.addf %add3A_255, %mul3A_260 : vector<16xf32>
      %get3A_262 = arith.index_cast %add3A_244 : i32 to index
      %get3A_263 = arith.constant 16 : index
      %get3A_264 = tpu.vector_load %arg11[%get3A_262, %get3A_263] {strides = array<i32>} : memref<512x32xf32, #tpu.memory_space<vmem>>, vector<1x16xf32>,
      %get3A_265 = vector.shape_cast %get3A_264 : vector<1x16xf32> to vector<16xf32>
      %mul3A_266 = arith.mulf %get3A_265, %get3A_181 : vector<16xf32>
      %add3A_267 = arith.addf %add3A_261, %mul3A_266 : vector<16xf32>
      %mul3A_268 = arith.constant 16 : i32
      %mul3A_269 = arith.muli %scan3A_240, %mul3A_268 : i32
      %add3A_270 = arith.constant 1 : i32
      %add3A_271 = arith.addi %mul3A_269, %add3A_270 : i32
      %get3A_272 = arith.index_cast %add3A_271 : i32 to index
      %get3A_273 = arith.constant 0 : index
      %get3A_274 = tpu.vector_load %arg10[%get3A_272, %get3A_273] {strides = array<i32>} : memref<512x32xf32, #tpu.memory_space<vmem>>, vector<1x16xf32>,
      %get3A_275 = vector.shape_cast %get3A_274 : vector<1x16xf32> to vector<16xf32>
      %mul3A_276 = arith.mulf %get3A_275, %get3A_166 : vector<16xf32>
      %get3A_277 = arith.index_cast %add3A_271 : i32 to index
      %get3A_278 = arith.constant 16 : index
      %get3A_279 = tpu.vector_load %arg10[%get3A_277, %get3A_278] {strides = array<i32>} : memref<512x32xf32, #tpu.memory_space<vmem>>, vector<1x16xf32>,
      %get3A_280 = vector.shape_cast %get3A_279 : vector<1x16xf32> to vector<16xf32>
      %mul3A_281 = arith.mulf %get3A_280, %get3A_171 : vector<16xf32>
      %add3A_282 = arith.addf %mul3A_276, %mul3A_281 : vector<16xf32>
      %get3A_283 = arith.index_cast %add3A_271 : i32 to index
      %get3A_284 = arith.constant 0 : index
      %get3A_285 = tpu.vector_load %arg11[%get3A_283, %get3A_284] {strides = array<i32>} : memref<512x32xf32, #tpu.memory_space<vmem>>, vector<1x16xf32>,
      %get3A_286 = vector.shape_cast %get3A_285 : vector<1x16xf32> to vector<16xf32>
      %mul3A_287 = arith.mulf %get3A_286, %get3A_176 : vector<16xf32>
      %add3A_288 = arith.addf %add3A_282, %mul3A_287 : vector<16xf32>
      %get3A_289 = arith.index_cast %add3A_271 : i32 to index
      %get3A_290 = arith.constant 16 : index
      %get3A_291 = tpu.vector_load %arg11[%get3A_289, %get3A_290] {strides = array<i32>} : memref<512x32xf32, #tpu.memory_space<vmem>>, vector<1x16xf32>,
      %get3A_292 = vector.shape_cast %get3A_291 : vector<1x16xf32> to vector<16xf32>
      %mul3A_293 = arith.mulf %get3A_292, %get3A_181 : vector<16xf32>
      %add3A_294 = arith.addf %add3A_288, %mul3A_293 : vector<16xf32>
      %mul3A_295 = arith.constant 16 : i32
      %mul3A_296 = arith.muli %scan3A_240, %mul3A_295 : i32
      %add3A_297 = arith.constant 2 : i32
      %add3A_298 = arith.addi %mul3A_296, %add3A_297 : i32
      %get3A_299 = arith.index_cast %add3A_298 : i32 to index
      %get3A_300 = arith.constant 0 : index
      %get3A_301 = tpu.vector_load %arg10[%get3A_299, %get3A_300] {strides = array<i32>} : memref<512x32xf32, #tpu.memory_space<vmem>>, vector<1x16xf32>,
      %get3A_302 = vector.shape_cast %get3A_301 : vector<1x16xf32> to vector<16xf32>
      %mul3A_303 = arith.mulf %get3A_302, %get3A_166 : vector<16xf32>
      %get3A_304 = arith.index_cast %add3A_298 : i32 to index
      %get3A_305 = arith.constant 16 : index
      %get3A_306 = tpu.vector_load %arg10[%get3A_304, %get3A_305] {strides = array<i32>} : memref<512x32xf32, #tpu.memory_space<vmem>>, vector<1x16xf32>,
      %get3A_307 = vector.shape_cast %get3A_306 : vector<1x16xf32> to vector<16xf32>
      %mul3A_308 = arith.mulf %get3A_307, %get3A_171 : vector<16xf32>
      %add3A_309 = arith.addf %mul3A_303, %mul3A_308 : vector<16xf32>
      %get3A_310 = arith.index_cast %add3A_298 : i32 to index
      %get3A_311 = arith.constant 0 : index
      %get3A_312 = tpu.vector_load %arg11[%get3A_310, %get3A_311] {strides = array<i32>} : memref<512x32xf32, #tpu.memory_space<vmem>>, vector<1x16xf32>,
      %get3A_313 = vector.shape_cast %get3A_312 : vector<1x16xf32> to vector<16xf32>
      %mul3A_314 = arith.mulf %get3A_313, %get3A_176 : vector<16xf32>
      %add3A_315 = arith.addf %add3A_309, %mul3A_314 : vector<16xf32>
      %get3A_316 = arith.index_cast %add3A_298 : i32 to index
      %get3A_317 = arith.constant 16 : index
      %get3A_318 = tpu.vector_load %arg11[%get3A_316, %get3A_317] {strides = array<i32>} : memref<512x32xf32, #tpu.memory_space<vmem>>, vector<1x16xf32>,
      %get3A_319 = vector.shape_cast %get3A_318 : vector<1x16xf32> to vector<16xf32>
      %mul3A_320 = arith.mulf %get3A_319, %get3A_181 : vector<16xf32>
      %add3A_321 = arith.addf %add3A_315, %mul3A_320 : vector<16xf32>
      %mul3A_322 = arith.constant 16 : i32
      %mul3A_323 = arith.muli %scan3A_240, %mul3A_322 : i32
      %add3A_324 = arith.constant 3 : i32
      %add3A_325 = arith.addi %mul3A_323, %add3A_324 : i32
      %get3A_326 = arith.index_cast %add3A_325 : i32 to index
      %get3A_327 = arith.constant 0 : index
      %get3A_328 = tpu.vector_load %arg10[%get3A_326, %get3A_327] {strides = array<i32>} : memref<512x32xf32, #tpu.memory_space<vmem>>, vector<1x16xf32>,
      %get3A_329 = vector.shape_cast %get3A_328 : vector<1x16xf32> to vector<16xf32>
      %mul3A_330 = arith.mulf %get3A_329, %get3A_166 : vector<16xf32>
      %get3A_331 = arith.index_cast %add3A_325 : i32 to index
      %get3A_332 = arith.constant 16 : index
      %get3A_333 = tpu.vector_load %arg10[%get3A_331, %get3A_332] {strides = array<i32>} : memref<512x32xf32, #tpu.memory_space<vmem>>, vector<1x16xf32>,
      %get3A_334 = vector.shape_cast %get3A_333 : vector<1x16xf32> to vector<16xf32>
      %mul3A_335 = arith.mulf %get3A_334, %get3A_171 : vector<16xf32>
      %add3A_336 = arith.addf %mul3A_330, %mul3A_335 : vector<16xf32>
      %get3A_337 = arith.index_cast %add3A_325 : i32 to index
      %get3A_338 = arith.constant 0 : index
      %get3A_339 = tpu.vector_load %arg11[%get3A_337, %get3A_338] {strides = array<i32>} : memref<512x32xf32, #tpu.memory_space<vmem>>, vector<1x16xf32>,
      %get3A_340 = vector.shape_cast %get3A_339 : vector<1x16xf32> to vector<16xf32>
      %mul3A_341 = arith.mulf %get3A_340, %get3A_176 : vector<16xf32>
      %add3A_342 = arith.addf %add3A_336, %mul3A_341 : vector<16xf32>
      %get3A_343 = arith.index_cast %add3A_325 : i32 to index
      %get3A_344 = arith.constant 16 : index
      %get3A_345 = tpu.vector_load %arg11[%get3A_343, %get3A_344] {strides = array<i32>} : memref<512x32xf32, #tpu.memory_space<vmem>>, vector<1x16xf32>,
      %get3A_346 = vector.shape_cast %get3A_345 : vector<1x16xf32> to vector<16xf32>
      %mul3A_347 = arith.mulf %get3A_346, %get3A_181 : vector<16xf32>
      %add3A_348 = arith.addf %add3A_342, %mul3A_347 : vector<16xf32>
      %mul3A_349 = arith.constant 16 : i32
      %mul3A_350 = arith.muli %scan3A_240, %mul3A_349 : i32
      %add3A_351 = arith.constant 4 : i32
      %add3A_352 = arith.addi %mul3A_350, %add3A_351 : i32
      %get3A_353 = arith.index_cast %add3A_352 : i32 to index
      %get3A_354 = arith.constant 0 : index
      %get3A_355 = tpu.vector_load %arg10[%get3A_353, %get3A_354] {strides = array<i32>} : memref<512x32xf32, #tpu.memory_space<vmem>>, vector<1x16xf32>,
      %get3A_356 = vector.shape_cast %get3A_355 : vector<1x16xf32> to vector<16xf32>
      %mul3A_357 = arith.mulf %get3A_356, %get3A_166 : vector<16xf32>
      %get3A_358 = arith.index_cast %add3A_352 : i32 to index
      %get3A_359 = arith.constant 16 : index
      %get3A_360 = tpu.vector_load %arg10[%get3A_358, %get3A_359] {strides = array<i32>} : memref<512x32xf32, #tpu.memory_space<vmem>>, vector<1x16xf32>,
      %get3A_361 = vector.shape_cast %get3A_360 : vector<1x16xf32> to vector<16xf32>
      %mul3A_362 = arith.mulf %get3A_361, %get3A_171 : vector<16xf32>
      %add3A_363 = arith.addf %mul3A_357, %mul3A_362 : vector<16xf32>
      %get3A_364 = arith.index_cast %add3A_352 : i32 to index
      %get3A_365 = arith.constant 0 : index
      %get3A_366 = tpu.vector_load %arg11[%get3A_364, %get3A_365] {strides = array<i32>} : memref<512x32xf32, #tpu.memory_space<vmem>>, vector<1x16xf32>,
      %get3A_367 = vector.shape_cast %get3A_366 : vector<1x16xf32> to vector<16xf32>
      %mul3A_368 = arith.mulf %get3A_367, %get3A_176 : vector<16xf32>
      %add3A_369 = arith.addf %add3A_363, %mul3A_368 : vector<16xf32>
      %get3A_370 = arith.index_cast %add3A_352 : i32 to index
      %get3A_371 = arith.constant 16 : index
      %get3A_372 = tpu.vector_load %arg11[%get3A_370, %get3A_371] {strides = array<i32>} : memref<512x32xf32, #tpu.memory_space<vmem>>, vector<1x16xf32>,
      %get3A_373 = vector.shape_cast %get3A_372 : vector<1x16xf32> to vector<16xf32>
      %mul3A_374 = arith.mulf %get3A_373, %get3A_181 : vector<16xf32>
      %add3A_375 = arith.addf %add3A_369, %mul3A_374 : vector<16xf32>
      %mul3A_376 = arith.constant 16 : i32
      %mul3A_377 = arith.muli %scan3A_240, %mul3A_376 : i32
      %add3A_378 = arith.constant 5 : i32
      %add3A_379 = arith.addi %mul3A_377, %add3A_378 : i32
      %get3A_380 = arith.index_cast %add3A_379 : i32 to index
      %get3A_381 = arith.constant 0 : index
      %get3A_382 = tpu.vector_load %arg10[%get3A_380, %get3A_381] {strides = array<i32>} : memref<512x32xf32, #tpu.memory_space<vmem>>, vector<1x16xf32>,
      %get3A_383 = vector.shape_cast %get3A_382 : vector<1x16xf32> to vector<16xf32>
      %mul3A_384 = arith.mulf %get3A_383, %get3A_166 : vector<16xf32>
      %get3A_385 = arith.index_cast %add3A_379 : i32 to index
      %get3A_386 = arith.constant 16 : index
      %get3A_387 = tpu.vector_load %arg10[%get3A_385, %get3A_386] {strides = array<i32>} : memref<512x32xf32, #tpu.memory_space<vmem>>, vector<1x16xf32>,
      %get3A_388 = vector.shape_cast %get3A_387 : vector<1x16xf32> to vector<16xf32>
      %mul3A_389 = arith.mulf %get3A_388, %get3A_171 : vector<16xf32>
      %add3A_390 = arith.addf %mul3A_384, %mul3A_389 : vector<16xf32>
      %get3A_391 = arith.index_cast %add3A_379 : i32 to index
      %get3A_392 = arith.constant 0 : index
      %get3A_393 = tpu.vector_load %arg11[%get3A_391, %get3A_392] {strides = array<i32>} : memref<512x32xf32, #tpu.memory_space<vmem>>, vector<1x16xf32>,
      %get3A_394 = vector.shape_cast %get3A_393 : vector<1x16xf32> to vector<16xf32>
      %mul3A_395 = arith.mulf %get3A_394, %get3A_176 : vector<16xf32>
      %add3A_396 = arith.addf %add3A_390, %mul3A_395 : vector<16xf32>
      %get3A_397 = arith.index_cast %add3A_379 : i32 to index
      %get3A_398 = arith.constant 16 : index
      %get3A_399 = tpu.vector_load %arg11[%get3A_397, %get3A_398] {strides = array<i32>} : memref<512x32xf32, #tpu.memory_space<vmem>>, vector<1x16xf32>,
      %get3A_400 = vector.shape_cast %get3A_399 : vector<1x16xf32> to vector<16xf32>
      %mul3A_401 = arith.mulf %get3A_400, %get3A_181 : vector<16xf32>
      %add3A_402 = arith.addf %add3A_396, %mul3A_401 : vector<16xf32>
      %mul3A_403 = arith.constant 16 : i32
      %mul3A_404 = arith.muli %scan3A_240, %mul3A_403 : i32
      %add3A_405 = arith.constant 6 : i32
      %add3A_406 = arith.addi %mul3A_404, %add3A_405 : i32
      %get3A_407 = arith.index_cast %add3A_406 : i32 to index
      %get3A_408 = arith.constant 0 : index
      %get3A_409 = tpu.vector_load %arg10[%get3A_407, %get3A_408] {strides = array<i32>} : memref<512x32xf32, #tpu.memory_space<vmem>>, vector<1x16xf32>,
      %get3A_410 = vector.shape_cast %get3A_409 : vector<1x16xf32> to vector<16xf32>
      %mul3A_411 = arith.mulf %get3A_410, %get3A_166 : vector<16xf32>
      %get3A_412 = arith.index_cast %add3A_406 : i32 to index
      %get3A_413 = arith.constant 16 : index
      %get3A_414 = tpu.vector_load %arg10[%get3A_412, %get3A_413] {strides = array<i32>} : memref<512x32xf32, #tpu.memory_space<vmem>>, vector<1x16xf32>,
      %get3A_415 = vector.shape_cast %get3A_414 : vector<1x16xf32> to vector<16xf32>
      %mul3A_416 = arith.mulf %get3A_415, %get3A_171 : vector<16xf32>
      %add3A_417 = arith.addf %mul3A_411, %mul3A_416 : vector<16xf32>
      %get3A_418 = arith.index_cast %add3A_406 : i32 to index
      %get3A_419 = arith.constant 0 : index
      %get3A_420 = tpu.vector_load %arg11[%get3A_418, %get3A_419] {strides = array<i32>} : memref<512x32xf32, #tpu.memory_space<vmem>>, vector<1x16xf32>,
      %get3A_421 = vector.shape_cast %get3A_420 : vector<1x16xf32> to vector<16xf32>
      %mul3A_422 = arith.mulf %get3A_421, %get3A_176 : vector<16xf32>
      %add3A_423 = arith.addf %add3A_417, %mul3A_422 : vector<16xf32>
      %get3A_424 = arith.index_cast %add3A_406 : i32 to index
      %get3A_425 = arith.constant 16 : index
      %get3A_426 = tpu.vector_load %arg11[%get3A_424, %get3A_425] {strides = array<i32>} : memref<512x32xf32, #tpu.memory_space<vmem>>, vector<1x16xf32>,
      %get3A_427 = vector.shape_cast %get3A_426 : vector<1x16xf32> to vector<16xf32>
      %mul3A_428 = arith.mulf %get3A_427, %get3A_181 : vector<16xf32>
      %add3A_429 = arith.addf %add3A_423, %mul3A_428 : vector<16xf32>
      %mul3A_430 = arith.constant 16 : i32
      %mul3A_431 = arith.muli %scan3A_240, %mul3A_430 : i32
      %add3A_432 = arith.constant 7 : i32
      %add3A_433 = arith.addi %mul3A_431, %add3A_432 : i32
      %get3A_434 = arith.index_cast %add3A_433 : i32 to index
      %get3A_435 = arith.constant 0 : index
      %get3A_436 = tpu.vector_load %arg10[%get3A_434, %get3A_435] {strides = array<i32>} : memref<512x32xf32, #tpu.memory_space<vmem>>, vector<1x16xf32>,
      %get3A_437 = vector.shape_cast %get3A_436 : vector<1x16xf32> to vector<16xf32>
      %mul3A_438 = arith.mulf %get3A_437, %get3A_166 : vector<16xf32>
      %get3A_439 = arith.index_cast %add3A_433 : i32 to index
      %get3A_440 = arith.constant 16 : index
      %get3A_441 = tpu.vector_load %arg10[%get3A_439, %get3A_440] {strides = array<i32>} : memref<512x32xf32, #tpu.memory_space<vmem>>, vector<1x16xf32>,
      %get3A_442 = vector.shape_cast %get3A_441 : vector<1x16xf32> to vector<16xf32>
      %mul3A_443 = arith.mulf %get3A_442, %get3A_171 : vector<16xf32>
      %add3A_444 = arith.addf %mul3A_438, %mul3A_443 : vector<16xf32>
      %get3A_445 = arith.index_cast %add3A_433 : i32 to index
      %get3A_446 = arith.constant 0 : index
      %get3A_447 = tpu.vector_load %arg11[%get3A_445, %get3A_446] {strides = array<i32>} : memref<512x32xf32, #tpu.memory_space<vmem>>, vector<1x16xf32>,
      %get3A_448 = vector.shape_cast %get3A_447 : vector<1x16xf32> to vector<16xf32>
      %mul3A_449 = arith.mulf %get3A_448, %get3A_176 : vector<16xf32>
      %add3A_450 = arith.addf %add3A_444, %mul3A_449 : vector<16xf32>
      %get3A_451 = arith.index_cast %add3A_433 : i32 to index
      %get3A_452 = arith.constant 16 : index
      %get3A_453 = tpu.vector_load %arg11[%get3A_451, %get3A_452] {strides = array<i32>} : memref<512x32xf32, #tpu.memory_space<vmem>>, vector<1x16xf32>,
      %get3A_454 = vector.shape_cast %get3A_453 : vector<1x16xf32> to vector<16xf32>
      %mul3A_455 = arith.mulf %get3A_454, %get3A_181 : vector<16xf32>
      %add3A_456 = arith.addf %add3A_450, %mul3A_455 : vector<16xf32>
      %mul3A_457 = arith.constant 16 : i32
      %mul3A_458 = arith.muli %scan3A_240, %mul3A_457 : i32
      %add3A_459 = arith.constant 8 : i32
      %add3A_460 = arith.addi %mul3A_458, %add3A_459 : i32
      %get3A_461 = arith.index_cast %add3A_460 : i32 to index
      %get3A_462 = arith.constant 0 : index
      %get3A_463 = tpu.vector_load %arg10[%get3A_461, %get3A_462] {strides = array<i32>} : memref<512x32xf32, #tpu.memory_space<vmem>>, vector<1x16xf32>,
      %get3A_464 = vector.shape_cast %get3A_463 : vector<1x16xf32> to vector<16xf32>
      %mul3A_465 = arith.mulf %get3A_464, %get3A_166 : vector<16xf32>
      %get3A_466 = arith.index_cast %add3A_460 : i32 to index
      %get3A_467 = arith.constant 16 : index
      %get3A_468 = tpu.vector_load %arg10[%get3A_466, %get3A_467] {strides = array<i32>} : memref<512x32xf32, #tpu.memory_space<vmem>>, vector<1x16xf32>,
      %get3A_469 = vector.shape_cast %get3A_468 : vector<1x16xf32> to vector<16xf32>
      %mul3A_470 = arith.mulf %get3A_469, %get3A_171 : vector<16xf32>
      %add3A_471 = arith.addf %mul3A_465, %mul3A_470 : vector<16xf32>
      %get3A_472 = arith.index_cast %add3A_460 : i32 to index
      %get3A_473 = arith.constant 0 : index
      %get3A_474 = tpu.vector_load %arg11[%get3A_472, %get3A_473] {strides = array<i32>} : memref<512x32xf32, #tpu.memory_space<vmem>>, vector<1x16xf32>,
      %get3A_475 = vector.shape_cast %get3A_474 : vector<1x16xf32> to vector<16xf32>
      %mul3A_476 = arith.mulf %get3A_475, %get3A_176 : vector<16xf32>
      %add3A_477 = arith.addf %add3A_471, %mul3A_476 : vector<16xf32>
      %get3A_478 = arith.index_cast %add3A_460 : i32 to index
      %get3A_479 = arith.constant 16 : index
      %get3A_480 = tpu.vector_load %arg11[%get3A_478, %get3A_479] {strides = array<i32>} : memref<512x32xf32, #tpu.memory_space<vmem>>, vector<1x16xf32>,
      %get3A_481 = vector.shape_cast %get3A_480 : vector<1x16xf32> to vector<16xf32>
      %mul3A_482 = arith.mulf %get3A_481, %get3A_181 : vector<16xf32>
      %add3A_483 = arith.addf %add3A_477, %mul3A_482 : vector<16xf32>
      %mul3A_484 = arith.constant 16 : i32
      %mul3A_485 = arith.muli %scan3A_240, %mul3A_484 : i32
      %add3A_486 = arith.constant 9 : i32
      %add3A_487 = arith.addi %mul3A_485, %add3A_486 : i32
      %get3A_488 = arith.index_cast %add3A_487 : i32 to index
      %get3A_489 = arith.constant 0 : index
      %get3A_490 = tpu.vector_load %arg10[%get3A_488, %get3A_489] {strides = array<i32>} : memref<512x32xf32, #tpu.memory_space<vmem>>, vector<1x16xf32>,
      %get3A_491 = vector.shape_cast %get3A_490 : vector<1x16xf32> to vector<16xf32>
      %mul3A_492 = arith.mulf %get3A_491, %get3A_166 : vector<16xf32>
      %get3A_493 = arith.index_cast %add3A_487 : i32 to index
      %get3A_494 = arith.constant 16 : index
      %get3A_495 = tpu.vector_load %arg10[%get3A_493, %get3A_494] {strides = array<i32>} : memref<512x32xf32, #tpu.memory_space<vmem>>, vector<1x16xf32>,
      %get3A_496 = vector.shape_cast %get3A_495 : vector<1x16xf32> to vector<16xf32>
      %mul3A_497 = arith.mulf %get3A_496, %get3A_171 : vector<16xf32>
      %add3A_498 = arith.addf %mul3A_492, %mul3A_497 : vector<16xf32>
      %get3A_499 = arith.index_cast %add3A_487 : i32 to index
      %get3A_500 = arith.constant 0 : index
      %get3A_501 = tpu.vector_load %arg11[%get3A_499, %get3A_500] {strides = array<i32>} : memref<512x32xf32, #tpu.memory_space<vmem>>, vector<1x16xf32>,
      %get3A_502 = vector.shape_cast %get3A_501 : vector<1x16xf32> to vector<16xf32>
      %mul3A_503 = arith.mulf %get3A_502, %get3A_176 : vector<16xf32>
      %add3A_504 = arith.addf %add3A_498, %mul3A_503 : vector<16xf32>
      %get3A_505 = arith.index_cast %add3A_487 : i32 to index
      %get3A_506 = arith.constant 16 : index
      %get3A_507 = tpu.vector_load %arg11[%get3A_505, %get3A_506] {strides = array<i32>} : memref<512x32xf32, #tpu.memory_space<vmem>>, vector<1x16xf32>,
      %get3A_508 = vector.shape_cast %get3A_507 : vector<1x16xf32> to vector<16xf32>
      %mul3A_509 = arith.mulf %get3A_508, %get3A_181 : vector<16xf32>
      %add3A_510 = arith.addf %add3A_504, %mul3A_509 : vector<16xf32>
      %mul3A_511 = arith.constant 16 : i32
      %mul3A_512 = arith.muli %scan3A_240, %mul3A_511 : i32
      %add3A_513 = arith.constant 10 : i32
      %add3A_514 = arith.addi %mul3A_512, %add3A_513 : i32
      %get3A_515 = arith.index_cast %add3A_514 : i32 to index
      %get3A_516 = arith.constant 0 : index
      %get3A_517 = tpu.vector_load %arg10[%get3A_515, %get3A_516] {strides = array<i32>} : memref<512x32xf32, #tpu.memory_space<vmem>>, vector<1x16xf32>,
      %get3A_518 = vector.shape_cast %get3A_517 : vector<1x16xf32> to vector<16xf32>
      %mul3A_519 = arith.mulf %get3A_518, %get3A_166 : vector<16xf32>
      %get3A_520 = arith.index_cast %add3A_514 : i32 to index
      %get3A_521 = arith.constant 16 : index
      %get3A_522 = tpu.vector_load %arg10[%get3A_520, %get3A_521] {strides = array<i32>} : memref<512x32xf32, #tpu.memory_space<vmem>>, vector<1x16xf32>,
      %get3A_523 = vector.shape_cast %get3A_522 : vector<1x16xf32> to vector<16xf32>
      %mul3A_524 = arith.mulf %get3A_523, %get3A_171 : vector<16xf32>
      %add3A_525 = arith.addf %mul3A_519, %mul3A_524 : vector<16xf32>
      %get3A_526 = arith.index_cast %add3A_514 : i32 to index
      %get3A_527 = arith.constant 0 : index
      %get3A_528 = tpu.vector_load %arg11[%get3A_526, %get3A_527] {strides = array<i32>} : memref<512x32xf32, #tpu.memory_space<vmem>>, vector<1x16xf32>,
      %get3A_529 = vector.shape_cast %get3A_528 : vector<1x16xf32> to vector<16xf32>
      %mul3A_530 = arith.mulf %get3A_529, %get3A_176 : vector<16xf32>
      %add3A_531 = arith.addf %add3A_525, %mul3A_530 : vector<16xf32>
      %get3A_532 = arith.index_cast %add3A_514 : i32 to index
      %get3A_533 = arith.constant 16 : index
      %get3A_534 = tpu.vector_load %arg11[%get3A_532, %get3A_533] {strides = array<i32>} : memref<512x32xf32, #tpu.memory_space<vmem>>, vector<1x16xf32>,
      %get3A_535 = vector.shape_cast %get3A_534 : vector<1x16xf32> to vector<16xf32>
      %mul3A_536 = arith.mulf %get3A_535, %get3A_181 : vector<16xf32>
      %add3A_537 = arith.addf %add3A_531, %mul3A_536 : vector<16xf32>
      %mul3A_538 = arith.constant 16 : i32
      %mul3A_539 = arith.muli %scan3A_240, %mul3A_538 : i32
      %add3A_540 = arith.constant 11 : i32
      %add3A_541 = arith.addi %mul3A_539, %add3A_540 : i32
      %get3A_542 = arith.index_cast %add3A_541 : i32 to index
      %get3A_543 = arith.constant 0 : index
      %get3A_544 = tpu.vector_load %arg10[%get3A_542, %get3A_543] {strides = array<i32>} : memref<512x32xf32, #tpu.memory_space<vmem>>, vector<1x16xf32>,
      %get3A_545 = vector.shape_cast %get3A_544 : vector<1x16xf32> to vector<16xf32>
      %mul3A_546 = arith.mulf %get3A_545, %get3A_166 : vector<16xf32>
      %get3A_547 = arith.index_cast %add3A_541 : i32 to index
      %get3A_548 = arith.constant 16 : index
      %get3A_549 = tpu.vector_load %arg10[%get3A_547, %get3A_548] {strides = array<i32>} : memref<512x32xf32, #tpu.memory_space<vmem>>, vector<1x16xf32>,
      %get3A_550 = vector.shape_cast %get3A_549 : vector<1x16xf32> to vector<16xf32>
      %mul3A_551 = arith.mulf %get3A_550, %get3A_171 : vector<16xf32>
      %add3A_552 = arith.addf %mul3A_546, %mul3A_551 : vector<16xf32>
      %get3A_553 = arith.index_cast %add3A_541 : i32 to index
      %get3A_554 = arith.constant 0 : index
      %get3A_555 = tpu.vector_load %arg11[%get3A_553, %get3A_554] {strides = array<i32>} : memref<512x32xf32, #tpu.memory_space<vmem>>, vector<1x16xf32>,
      %get3A_556 = vector.shape_cast %get3A_555 : vector<1x16xf32> to vector<16xf32>
      %mul3A_557 = arith.mulf %get3A_556, %get3A_176 : vector<16xf32>
      %add3A_558 = arith.addf %add3A_552, %mul3A_557 : vector<16xf32>
      %get3A_559 = arith.index_cast %add3A_541 : i32 to index
      %get3A_560 = arith.constant 16 : index
      %get3A_561 = tpu.vector_load %arg11[%get3A_559, %get3A_560] {strides = array<i32>} : memref<512x32xf32, #tpu.memory_space<vmem>>, vector<1x16xf32>,
      %get3A_562 = vector.shape_cast %get3A_561 : vector<1x16xf32> to vector<16xf32>
      %mul3A_563 = arith.mulf %get3A_562, %get3A_181 : vector<16xf32>
      %add3A_564 = arith.addf %add3A_558, %mul3A_563 : vector<16xf32>
      %mul3A_565 = arith.constant 16 : i32
      %mul3A_566 = arith.muli %scan3A_240, %mul3A_565 : i32
      %add3A_567 = arith.constant 12 : i32
      %add3A_568 = arith.addi %mul3A_566, %add3A_567 : i32
      %get3A_569 = arith.index_cast %add3A_568 : i32 to index
      %get3A_570 = arith.constant 0 : index
      %get3A_571 = tpu.vector_load %arg10[%get3A_569, %get3A_570] {strides = array<i32>} : memref<512x32xf32, #tpu.memory_space<vmem>>, vector<1x16xf32>,
      %get3A_572 = vector.shape_cast %get3A_571 : vector<1x16xf32> to vector<16xf32>
      %mul3A_573 = arith.mulf %get3A_572, %get3A_166 : vector<16xf32>
      %get3A_574 = arith.index_cast %add3A_568 : i32 to index
      %get3A_575 = arith.constant 16 : index
      %get3A_576 = tpu.vector_load %arg10[%get3A_574, %get3A_575] {strides = array<i32>} : memref<512x32xf32, #tpu.memory_space<vmem>>, vector<1x16xf32>,
      %get3A_577 = vector.shape_cast %get3A_576 : vector<1x16xf32> to vector<16xf32>
      %mul3A_578 = arith.mulf %get3A_577, %get3A_171 : vector<16xf32>
      %add3A_579 = arith.addf %mul3A_573, %mul3A_578 : vector<16xf32>
      %get3A_580 = arith.index_cast %add3A_568 : i32 to index
      %get3A_581 = arith.constant 0 : index
      %get3A_582 = tpu.vector_load %arg11[%get3A_580, %get3A_581] {strides = array<i32>} : memref<512x32xf32, #tpu.memory_space<vmem>>, vector<1x16xf32>,
      %get3A_583 = vector.shape_cast %get3A_582 : vector<1x16xf32> to vector<16xf32>
      %mul3A_584 = arith.mulf %get3A_583, %get3A_176 : vector<16xf32>
      %add3A_585 = arith.addf %add3A_579, %mul3A_584 : vector<16xf32>
      %get3A_586 = arith.index_cast %add3A_568 : i32 to index
      %get3A_587 = arith.constant 16 : index
      %get3A_588 = tpu.vector_load %arg11[%get3A_586, %get3A_587] {strides = array<i32>} : memref<512x32xf32, #tpu.memory_space<vmem>>, vector<1x16xf32>,
      %get3A_589 = vector.shape_cast %get3A_588 : vector<1x16xf32> to vector<16xf32>
      %mul3A_590 = arith.mulf %get3A_589, %get3A_181 : vector<16xf32>
      %add3A_591 = arith.addf %add3A_585, %mul3A_590 : vector<16xf32>
      %mul3A_592 = arith.constant 16 : i32
      %mul3A_593 = arith.muli %scan3A_240, %mul3A_592 : i32
      %add3A_594 = arith.constant 13 : i32
      %add3A_595 = arith.addi %mul3A_593, %add3A_594 : i32
      %get3A_596 = arith.index_cast %add3A_595 : i32 to index
      %get3A_597 = arith.constant 0 : index
      %get3A_598 = tpu.vector_load %arg10[%get3A_596, %get3A_597] {strides = array<i32>} : memref<512x32xf32, #tpu.memory_space<vmem>>, vector<1x16xf32>,
      %get3A_599 = vector.shape_cast %get3A_598 : vector<1x16xf32> to vector<16xf32>
      %mul3A_600 = arith.mulf %get3A_599, %get3A_166 : vector<16xf32>
      %get3A_601 = arith.index_cast %add3A_595 : i32 to index
      %get3A_602 = arith.constant 16 : index
      %get3A_603 = tpu.vector_load %arg10[%get3A_601, %get3A_602] {strides = array<i32>} : memref<512x32xf32, #tpu.memory_space<vmem>>, vector<1x16xf32>,
      %get3A_604 = vector.shape_cast %get3A_603 : vector<1x16xf32> to vector<16xf32>
      %mul3A_605 = arith.mulf %get3A_604, %get3A_171 : vector<16xf32>
      %add3A_606 = arith.addf %mul3A_600, %mul3A_605 : vector<16xf32>
      %get3A_607 = arith.index_cast %add3A_595 : i32 to index
      %get3A_608 = arith.constant 0 : index
      %get3A_609 = tpu.vector_load %arg11[%get3A_607, %get3A_608] {strides = array<i32>} : memref<512x32xf32, #tpu.memory_space<vmem>>, vector<1x16xf32>,
      %get3A_610 = vector.shape_cast %get3A_609 : vector<1x16xf32> to vector<16xf32>
      %mul3A_611 = arith.mulf %get3A_610, %get3A_176 : vector<16xf32>
      %add3A_612 = arith.addf %add3A_606, %mul3A_611 : vector<16xf32>
      %get3A_613 = arith.index_cast %add3A_595 : i32 to index
      %get3A_614 = arith.constant 16 : index
      %get3A_615 = tpu.vector_load %arg11[%get3A_613, %get3A_614] {strides = array<i32>} : memref<512x32xf32, #tpu.memory_space<vmem>>, vector<1x16xf32>,
      %get3A_616 = vector.shape_cast %get3A_615 : vector<1x16xf32> to vector<16xf32>
      %mul3A_617 = arith.mulf %get3A_616, %get3A_181 : vector<16xf32>
      %add3A_618 = arith.addf %add3A_612, %mul3A_617 : vector<16xf32>
      %mul3A_619 = arith.constant 16 : i32
      %mul3A_620 = arith.muli %scan3A_240, %mul3A_619 : i32
      %add3A_621 = arith.constant 14 : i32
      %add3A_622 = arith.addi %mul3A_620, %add3A_621 : i32
      %get3A_623 = arith.index_cast %add3A_622 : i32 to index
      %get3A_624 = arith.constant 0 : index
      %get3A_625 = tpu.vector_load %arg10[%get3A_623, %get3A_624] {strides = array<i32>} : memref<512x32xf32, #tpu.memory_space<vmem>>, vector<1x16xf32>,
      %get3A_626 = vector.shape_cast %get3A_625 : vector<1x16xf32> to vector<16xf32>
      %mul3A_627 = arith.mulf %get3A_626, %get3A_166 : vector<16xf32>
      %get3A_628 = arith.index_cast %add3A_622 : i32 to index
      %get3A_629 = arith.constant 16 : index
      %get3A_630 = tpu.vector_load %arg10[%get3A_628, %get3A_629] {strides = array<i32>} : memref<512x32xf32, #tpu.memory_space<vmem>>, vector<1x16xf32>,
      %get3A_631 = vector.shape_cast %get3A_630 : vector<1x16xf32> to vector<16xf32>
      %mul3A_632 = arith.mulf %get3A_631, %get3A_171 : vector<16xf32>
      %add3A_633 = arith.addf %mul3A_627, %mul3A_632 : vector<16xf32>
      %get3A_634 = arith.index_cast %add3A_622 : i32 to index
      %get3A_635 = arith.constant 0 : index
      %get3A_636 = tpu.vector_load %arg11[%get3A_634, %get3A_635] {strides = array<i32>} : memref<512x32xf32, #tpu.memory_space<vmem>>, vector<1x16xf32>,
      %get3A_637 = vector.shape_cast %get3A_636 : vector<1x16xf32> to vector<16xf32>
      %mul3A_638 = arith.mulf %get3A_637, %get3A_176 : vector<16xf32>
      %add3A_639 = arith.addf %add3A_633, %mul3A_638 : vector<16xf32>
      %get3A_640 = arith.index_cast %add3A_622 : i32 to index
      %get3A_641 = arith.constant 16 : index
      %get3A_642 = tpu.vector_load %arg11[%get3A_640, %get3A_641] {strides = array<i32>} : memref<512x32xf32, #tpu.memory_space<vmem>>, vector<1x16xf32>,
      %get3A_643 = vector.shape_cast %get3A_642 : vector<1x16xf32> to vector<16xf32>
      %mul3A_644 = arith.mulf %get3A_643, %get3A_181 : vector<16xf32>
      %add3A_645 = arith.addf %add3A_639, %mul3A_644 : vector<16xf32>
      %mul3A_646 = arith.constant 16 : i32
      %mul3A_647 = arith.muli %scan3A_240, %mul3A_646 : i32
      %add3A_648 = arith.constant 15 : i32
      %add3A_649 = arith.addi %mul3A_647, %add3A_648 : i32
      %get3A_650 = arith.index_cast %add3A_649 : i32 to index
      %get3A_651 = arith.constant 0 : index
      %get3A_652 = tpu.vector_load %arg10[%get3A_650, %get3A_651] {strides = array<i32>} : memref<512x32xf32, #tpu.memory_space<vmem>>, vector<1x16xf32>,
      %get3A_653 = vector.shape_cast %get3A_652 : vector<1x16xf32> to vector<16xf32>
      %mul3A_654 = arith.mulf %get3A_653, %get3A_166 : vector<16xf32>
      %get3A_655 = arith.index_cast %add3A_649 : i32 to index
      %get3A_656 = arith.constant 16 : index
      %get3A_657 = tpu.vector_load %arg10[%get3A_655, %get3A_656] {strides = array<i32>} : memref<512x32xf32, #tpu.memory_space<vmem>>, vector<1x16xf32>,
      %get3A_658 = vector.shape_cast %get3A_657 : vector<1x16xf32> to vector<16xf32>
      %mul3A_659 = arith.mulf %get3A_658, %get3A_171 : vector<16xf32>
      %add3A_660 = arith.addf %mul3A_654, %mul3A_659 : vector<16xf32>
      %get3A_661 = arith.index_cast %add3A_649 : i32 to index
      %get3A_662 = arith.constant 0 : index
      %get3A_663 = tpu.vector_load %arg11[%get3A_661, %get3A_662] {strides = array<i32>} : memref<512x32xf32, #tpu.memory_space<vmem>>, vector<1x16xf32>,
      %get3A_664 = vector.shape_cast %get3A_663 : vector<1x16xf32> to vector<16xf32>
      %mul3A_665 = arith.mulf %get3A_664, %get3A_176 : vector<16xf32>
      %add3A_666 = arith.addf %add3A_660, %mul3A_665 : vector<16xf32>
      %get3A_667 = arith.index_cast %add3A_649 : i32 to index
      %get3A_668 = arith.constant 16 : index
      %get3A_669 = tpu.vector_load %arg11[%get3A_667, %get3A_668] {strides = array<i32>} : memref<512x32xf32, #tpu.memory_space<vmem>>, vector<1x16xf32>,
      %get3A_670 = vector.shape_cast %get3A_669 : vector<1x16xf32> to vector<16xf32>
      %mul3A_671 = arith.mulf %get3A_670, %get3A_181 : vector<16xf32>
      %add3A_672 = arith.addf %add3A_666, %mul3A_671 : vector<16xf32>
      %select_n3A = arith.select %eq3A_192, %add3A_294, %add3A_267 : vector<16xi1>, vector<16xf32>
      %select_n3A_673 = arith.select %eq3A_192, %add3A_267, %add3A_294 : vector<16xi1>, vector<16xf32>
      %lt3A = arith.constant 0 : i32
      %lt3A_674 = vector.broadcast %lt3A : i32 to vector<16xi32>
      %lt3A_675 = arith.cmpi slt, %xor3A_221, %lt3A_674 : vector<16xi32>
      %add3A_676 = arith.constant 16 : i32
      %add3A_677 = vector.broadcast %add3A_676 : i32 to vector<16xi32>
      %add3A_678 = arith.addi %xor3A_221, %add3A_677 : vector<16xi32>
      %select_n3A_679 = arith.select %lt3A_675, %add3A_678, %xor3A_221 : vector<16xi1>, vector<16xi32>
      %broadcast_in_dim3A = vector.shape_cast %select_n3A_679 : vector<16xi32> to vector<16x1xi32>
      %gather3A = vector.shape_cast %broadcast_in_dim3A : vector<16x1xi32> to vector<16xi32>
      %gather3A_680 = tpu.dynamic_gather %select_n3A_673[%gather3A] in [0] : vector<16xf32>, vector<16xi32> -> vector<16xf32>
      %add3A_681 = arith.addf %select_n3A, %gather3A_680 : vector<16xf32>
      %select_n3A_682 = arith.select %eq3A_192, %add3A_348, %add3A_321 : vector<16xi1>, vector<16xf32>
      %select_n3A_683 = arith.select %eq3A_192, %add3A_321, %add3A_348 : vector<16xi1>, vector<16xf32>
      %lt3A_684 = arith.constant 0 : i32
      %lt3A_685 = vector.broadcast %lt3A_684 : i32 to vector<16xi32>
      %lt3A_686 = arith.cmpi slt, %xor3A_221, %lt3A_685 : vector<16xi32>
      %add3A_687 = arith.constant 16 : i32
      %add3A_688 = vector.broadcast %add3A_687 : i32 to vector<16xi32>
      %add3A_689 = arith.addi %xor3A_221, %add3A_688 : vector<16xi32>
      %select_n3A_690 = arith.select %lt3A_686, %add3A_689, %xor3A_221 : vector<16xi1>, vector<16xi32>
      %broadcast_in_dim3A_691 = vector.shape_cast %select_n3A_690 : vector<16xi32> to vector<16x1xi32>
      %gather3A_692 = vector.shape_cast %broadcast_in_dim3A_691 : vector<16x1xi32> to vector<16xi32>
      %gather3A_693 = tpu.dynamic_gather %select_n3A_683[%gather3A_692] in [0] : vector<16xf32>, vector<16xi32> -> vector<16xf32>
      %add3A_694 = arith.addf %select_n3A_682, %gather3A_693 : vector<16xf32>
      %select_n3A_695 = arith.select %eq3A_192, %add3A_402, %add3A_375 : vector<16xi1>, vector<16xf32>
      %select_n3A_696 = arith.select %eq3A_192, %add3A_375, %add3A_402 : vector<16xi1>, vector<16xf32>
      %lt3A_697 = arith.constant 0 : i32
      %lt3A_698 = vector.broadcast %lt3A_697 : i32 to vector<16xi32>
      %lt3A_699 = arith.cmpi slt, %xor3A_221, %lt3A_698 : vector<16xi32>
      %add3A_700 = arith.constant 16 : i32
      %add3A_701 = vector.broadcast %add3A_700 : i32 to vector<16xi32>
      %add3A_702 = arith.addi %xor3A_221, %add3A_701 : vector<16xi32>
      %select_n3A_703 = arith.select %lt3A_699, %add3A_702, %xor3A_221 : vector<16xi1>, vector<16xi32>
      %broadcast_in_dim3A_704 = vector.shape_cast %select_n3A_703 : vector<16xi32> to vector<16x1xi32>
      %gather3A_705 = vector.shape_cast %broadcast_in_dim3A_704 : vector<16x1xi32> to vector<16xi32>
      %gather3A_706 = tpu.dynamic_gather %select_n3A_696[%gather3A_705] in [0] : vector<16xf32>, vector<16xi32> -> vector<16xf32>
      %add3A_707 = arith.addf %select_n3A_695, %gather3A_706 : vector<16xf32>
      %select_n3A_708 = arith.select %eq3A_192, %add3A_456, %add3A_429 : vector<16xi1>, vector<16xf32>
      %select_n3A_709 = arith.select %eq3A_192, %add3A_429, %add3A_456 : vector<16xi1>, vector<16xf32>
      %lt3A_710 = arith.constant 0 : i32
      %lt3A_711 = vector.broadcast %lt3A_710 : i32 to vector<16xi32>
      %lt3A_712 = arith.cmpi slt, %xor3A_221, %lt3A_711 : vector<16xi32>
      %add3A_713 = arith.constant 16 : i32
      %add3A_714 = vector.broadcast %add3A_713 : i32 to vector<16xi32>
      %add3A_715 = arith.addi %xor3A_221, %add3A_714 : vector<16xi32>
      %select_n3A_716 = arith.select %lt3A_712, %add3A_715, %xor3A_221 : vector<16xi1>, vector<16xi32>
      %broadcast_in_dim3A_717 = vector.shape_cast %select_n3A_716 : vector<16xi32> to vector<16x1xi32>
      %gather3A_718 = vector.shape_cast %broadcast_in_dim3A_717 : vector<16x1xi32> to vector<16xi32>
      %gather3A_719 = tpu.dynamic_gather %select_n3A_709[%gather3A_718] in [0] : vector<16xf32>, vector<16xi32> -> vector<16xf32>
      %add3A_720 = arith.addf %select_n3A_708, %gather3A_719 : vector<16xf32>
      %select_n3A_721 = arith.select %eq3A_192, %add3A_510, %add3A_483 : vector<16xi1>, vector<16xf32>
      %select_n3A_722 = arith.select %eq3A_192, %add3A_483, %add3A_510 : vector<16xi1>, vector<16xf32>
      %lt3A_723 = arith.constant 0 : i32
      %lt3A_724 = vector.broadcast %lt3A_723 : i32 to vector<16xi32>
      %lt3A_725 = arith.cmpi slt, %xor3A_221, %lt3A_724 : vector<16xi32>
      %add3A_726 = arith.constant 16 : i32
      %add3A_727 = vector.broadcast %add3A_726 : i32 to vector<16xi32>
      %add3A_728 = arith.addi %xor3A_221, %add3A_727 : vector<16xi32>
      %select_n3A_729 = arith.select %lt3A_725, %add3A_728, %xor3A_221 : vector<16xi1>, vector<16xi32>
      %broadcast_in_dim3A_730 = vector.shape_cast %select_n3A_729 : vector<16xi32> to vector<16x1xi32>
      %gather3A_731 = vector.shape_cast %broadcast_in_dim3A_730 : vector<16x1xi32> to vector<16xi32>
      %gather3A_732 = tpu.dynamic_gather %select_n3A_722[%gather3A_731] in [0] : vector<16xf32>, vector<16xi32> -> vector<16xf32>
      %add3A_733 = arith.addf %select_n3A_721, %gather3A_732 : vector<16xf32>
      %select_n3A_734 = arith.select %eq3A_192, %add3A_564, %add3A_537 : vector<16xi1>, vector<16xf32>
      %select_n3A_735 = arith.select %eq3A_192, %add3A_537, %add3A_564 : vector<16xi1>, vector<16xf32>
      %lt3A_736 = arith.constant 0 : i32
      %lt3A_737 = vector.broadcast %lt3A_736 : i32 to vector<16xi32>
      %lt3A_738 = arith.cmpi slt, %xor3A_221, %lt3A_737 : vector<16xi32>
      %add3A_739 = arith.constant 16 : i32
      %add3A_740 = vector.broadcast %add3A_739 : i32 to vector<16xi32>
      %add3A_741 = arith.addi %xor3A_221, %add3A_740 : vector<16xi32>
      %select_n3A_742 = arith.select %lt3A_738, %add3A_741, %xor3A_221 : vector<16xi1>, vector<16xi32>
      %broadcast_in_dim3A_743 = vector.shape_cast %select_n3A_742 : vector<16xi32> to vector<16x1xi32>
      %gather3A_744 = vector.shape_cast %broadcast_in_dim3A_743 : vector<16x1xi32> to vector<16xi32>
      %gather3A_745 = tpu.dynamic_gather %select_n3A_735[%gather3A_744] in [0] : vector<16xf32>, vector<16xi32> -> vector<16xf32>
      %add3A_746 = arith.addf %select_n3A_734, %gather3A_745 : vector<16xf32>
      %select_n3A_747 = arith.select %eq3A_192, %add3A_618, %add3A_591 : vector<16xi1>, vector<16xf32>
      %select_n3A_748 = arith.select %eq3A_192, %add3A_591, %add3A_618 : vector<16xi1>, vector<16xf32>
      %lt3A_749 = arith.constant 0 : i32
      %lt3A_750 = vector.broadcast %lt3A_749 : i32 to vector<16xi32>
      %lt3A_751 = arith.cmpi slt, %xor3A_221, %lt3A_750 : vector<16xi32>
      %add3A_752 = arith.constant 16 : i32
      %add3A_753 = vector.broadcast %add3A_752 : i32 to vector<16xi32>
      %add3A_754 = arith.addi %xor3A_221, %add3A_753 : vector<16xi32>
      %select_n3A_755 = arith.select %lt3A_751, %add3A_754, %xor3A_221 : vector<16xi1>, vector<16xi32>
      %broadcast_in_dim3A_756 = vector.shape_cast %select_n3A_755 : vector<16xi32> to vector<16x1xi32>
      %gather3A_757 = vector.shape_cast %broadcast_in_dim3A_756 : vector<16x1xi32> to vector<16xi32>
      %gather3A_758 = tpu.dynamic_gather %select_n3A_748[%gather3A_757] in [0] : vector<16xf32>, vector<16xi32> -> vector<16xf32>
      %add3A_759 = arith.addf %select_n3A_747, %gather3A_758 : vector<16xf32>
      %select_n3A_760 = arith.select %eq3A_192, %add3A_672, %add3A_645 : vector<16xi1>, vector<16xf32>
      %select_n3A_761 = arith.select %eq3A_192, %add3A_645, %add3A_672 : vector<16xi1>, vector<16xf32>
      %lt3A_762 = arith.constant 0 : i32
      %lt3A_763 = vector.broadcast %lt3A_762 : i32 to vector<16xi32>
      %lt3A_764 = arith.cmpi slt, %xor3A_221, %lt3A_763 : vector<16xi32>
      %add3A_765 = arith.constant 16 : i32
      %add3A_766 = vector.broadcast %add3A_765 : i32 to vector<16xi32>
      %add3A_767 = arith.addi %xor3A_221, %add3A_766 : vector<16xi32>
      %select_n3A_768 = arith.select %lt3A_764, %add3A_767, %xor3A_221 : vector<16xi1>, vector<16xi32>
      %broadcast_in_dim3A_769 = vector.shape_cast %select_n3A_768 : vector<16xi32> to vector<16x1xi32>
      %gather3A_770 = vector.shape_cast %broadcast_in_dim3A_769 : vector<16x1xi32> to vector<16xi32>
      %gather3A_771 = tpu.dynamic_gather %select_n3A_761[%gather3A_770] in [0] : vector<16xf32>, vector<16xi32> -> vector<16xf32>
      %add3A_772 = arith.addf %select_n3A_760, %gather3A_771 : vector<16xf32>
      %select_n3A_773 = arith.select %eq3A_201, %add3A_694, %add3A_681 : vector<16xi1>, vector<16xf32>
      %select_n3A_774 = arith.select %eq3A_201, %add3A_681, %add3A_694 : vector<16xi1>, vector<16xf32>
      %lt3A_775 = arith.constant 0 : i32
      %lt3A_776 = vector.broadcast %lt3A_775 : i32 to vector<16xi32>
      %lt3A_777 = arith.cmpi slt, %xor3A_224, %lt3A_776 : vector<16xi32>
      %add3A_778 = arith.constant 16 : i32
      %add3A_779 = vector.broadcast %add3A_778 : i32 to vector<16xi32>
      %add3A_780 = arith.addi %xor3A_224, %add3A_779 : vector<16xi32>
      %select_n3A_781 = arith.select %lt3A_777, %add3A_780, %xor3A_224 : vector<16xi1>, vector<16xi32>
      %broadcast_in_dim3A_782 = vector.shape_cast %select_n3A_781 : vector<16xi32> to vector<16x1xi32>
      %gather3A_783 = vector.shape_cast %broadcast_in_dim3A_782 : vector<16x1xi32> to vector<16xi32>
      %gather3A_784 = tpu.dynamic_gather %select_n3A_774[%gather3A_783] in [0] : vector<16xf32>, vector<16xi32> -> vector<16xf32>
      %add3A_785 = arith.addf %select_n3A_773, %gather3A_784 : vector<16xf32>
      %select_n3A_786 = arith.select %eq3A_201, %add3A_720, %add3A_707 : vector<16xi1>, vector<16xf32>
      %select_n3A_787 = arith.select %eq3A_201, %add3A_707, %add3A_720 : vector<16xi1>, vector<16xf32>
      %lt3A_788 = arith.constant 0 : i32
      %lt3A_789 = vector.broadcast %lt3A_788 : i32 to vector<16xi32>
      %lt3A_790 = arith.cmpi slt, %xor3A_224, %lt3A_789 : vector<16xi32>
      %add3A_791 = arith.constant 16 : i32
      %add3A_792 = vector.broadcast %add3A_791 : i32 to vector<16xi32>
      %add3A_793 = arith.addi %xor3A_224, %add3A_792 : vector<16xi32>
      %select_n3A_794 = arith.select %lt3A_790, %add3A_793, %xor3A_224 : vector<16xi1>, vector<16xi32>
      %broadcast_in_dim3A_795 = vector.shape_cast %select_n3A_794 : vector<16xi32> to vector<16x1xi32>
      %gather3A_796 = vector.shape_cast %broadcast_in_dim3A_795 : vector<16x1xi32> to vector<16xi32>
      %gather3A_797 = tpu.dynamic_gather %select_n3A_787[%gather3A_796] in [0] : vector<16xf32>, vector<16xi32> -> vector<16xf32>
      %add3A_798 = arith.addf %select_n3A_786, %gather3A_797 : vector<16xf32>
      %select_n3A_799 = arith.select %eq3A_201, %add3A_746, %add3A_733 : vector<16xi1>, vector<16xf32>
      %select_n3A_800 = arith.select %eq3A_201, %add3A_733, %add3A_746 : vector<16xi1>, vector<16xf32>
      %lt3A_801 = arith.constant 0 : i32
      %lt3A_802 = vector.broadcast %lt3A_801 : i32 to vector<16xi32>
      %lt3A_803 = arith.cmpi slt, %xor3A_224, %lt3A_802 : vector<16xi32>
      %add3A_804 = arith.constant 16 : i32
      %add3A_805 = vector.broadcast %add3A_804 : i32 to vector<16xi32>
      %add3A_806 = arith.addi %xor3A_224, %add3A_805 : vector<16xi32>
      %select_n3A_807 = arith.select %lt3A_803, %add3A_806, %xor3A_224 : vector<16xi1>, vector<16xi32>
      %broadcast_in_dim3A_808 = vector.shape_cast %select_n3A_807 : vector<16xi32> to vector<16x1xi32>
      %gather3A_809 = vector.shape_cast %broadcast_in_dim3A_808 : vector<16x1xi32> to vector<16xi32>
      %gather3A_810 = tpu.dynamic_gather %select_n3A_800[%gather3A_809] in [0] : vector<16xf32>, vector<16xi32> -> vector<16xf32>
      %add3A_811 = arith.addf %select_n3A_799, %gather3A_810 : vector<16xf32>
      %select_n3A_812 = arith.select %eq3A_201, %add3A_772, %add3A_759 : vector<16xi1>, vector<16xf32>
      %select_n3A_813 = arith.select %eq3A_201, %add3A_759, %add3A_772 : vector<16xi1>, vector<16xf32>
      %lt3A_814 = arith.constant 0 : i32
      %lt3A_815 = vector.broadcast %lt3A_814 : i32 to vector<16xi32>
      %lt3A_816 = arith.cmpi slt, %xor3A_224, %lt3A_815 : vector<16xi32>
      %add3A_817 = arith.constant 16 : i32
      %add3A_818 = vector.broadcast %add3A_817 : i32 to vector<16xi32>
      %add3A_819 = arith.addi %xor3A_224, %add3A_818 : vector<16xi32>
      %select_n3A_820 = arith.select %lt3A_816, %add3A_819, %xor3A_224 : vector<16xi1>, vector<16xi32>
      %broadcast_in_dim3A_821 = vector.shape_cast %select_n3A_820 : vector<16xi32> to vector<16x1xi32>
      %gather3A_822 = vector.shape_cast %broadcast_in_dim3A_821 : vector<16x1xi32> to vector<16xi32>
      %gather3A_823 = tpu.dynamic_gather %select_n3A_813[%gather3A_822] in [0] : vector<16xf32>, vector<16xi32> -> vector<16xf32>
      %add3A_824 = arith.addf %select_n3A_812, %gather3A_823 : vector<16xf32>
      %select_n3A_825 = arith.select %eq3A_210, %add3A_798, %add3A_785 : vector<16xi1>, vector<16xf32>
      %select_n3A_826 = arith.select %eq3A_210, %add3A_785, %add3A_798 : vector<16xi1>, vector<16xf32>
      %lt3A_827 = arith.constant 0 : i32
      %lt3A_828 = vector.broadcast %lt3A_827 : i32 to vector<16xi32>
      %lt3A_829 = arith.cmpi slt, %xor3A_227, %lt3A_828 : vector<16xi32>
      %add3A_830 = arith.constant 16 : i32
      %add3A_831 = vector.broadcast %add3A_830 : i32 to vector<16xi32>
      %add3A_832 = arith.addi %xor3A_227, %add3A_831 : vector<16xi32>
      %select_n3A_833 = arith.select %lt3A_829, %add3A_832, %xor3A_227 : vector<16xi1>, vector<16xi32>
      %broadcast_in_dim3A_834 = vector.shape_cast %select_n3A_833 : vector<16xi32> to vector<16x1xi32>
      %gather3A_835 = vector.shape_cast %broadcast_in_dim3A_834 : vector<16x1xi32> to vector<16xi32>
      %gather3A_836 = tpu.dynamic_gather %select_n3A_826[%gather3A_835] in [0] : vector<16xf32>, vector<16xi32> -> vector<16xf32>
      %add3A_837 = arith.addf %select_n3A_825, %gather3A_836 : vector<16xf32>
      %select_n3A_838 = arith.select %eq3A_210, %add3A_824, %add3A_811 : vector<16xi1>, vector<16xf32>
      %select_n3A_839 = arith.select %eq3A_210, %add3A_811, %add3A_824 : vector<16xi1>, vector<16xf32>
      %lt3A_840 = arith.constant 0 : i32
      %lt3A_841 = vector.broadcast %lt3A_840 : i32 to vector<16xi32>
      %lt3A_842 = arith.cmpi slt, %xor3A_227, %lt3A_841 : vector<16xi32>
      %add3A_843 = arith.constant 16 : i32
      %add3A_844 = vector.broadcast %add3A_843 : i32 to vector<16xi32>
      %add3A_845 = arith.addi %xor3A_227, %add3A_844 : vector<16xi32>
      %select_n3A_846 = arith.select %lt3A_842, %add3A_845, %xor3A_227 : vector<16xi1>, vector<16xi32>
      %broadcast_in_dim3A_847 = vector.shape_cast %select_n3A_846 : vector<16xi32> to vector<16x1xi32>
      %gather3A_848 = vector.shape_cast %broadcast_in_dim3A_847 : vector<16x1xi32> to vector<16xi32>
      %gather3A_849 = tpu.dynamic_gather %select_n3A_839[%gather3A_848] in [0] : vector<16xf32>, vector<16xi32> -> vector<16xf32>
      %add3A_850 = arith.addf %select_n3A_838, %gather3A_849 : vector<16xf32>
      %select_n3A_851 = arith.select %eq3A_219, %add3A_850, %add3A_837 : vector<16xi1>, vector<16xf32>
      %select_n3A_852 = arith.select %eq3A_219, %add3A_837, %add3A_850 : vector<16xi1>, vector<16xf32>
      %lt3A_853 = arith.constant 0 : i32
      %lt3A_854 = vector.broadcast %lt3A_853 : i32 to vector<16xi32>
      %lt3A_855 = arith.cmpi slt, %xor3A_230, %lt3A_854 : vector<16xi32>
      %add3A_856 = arith.constant 16 : i32
      %add3A_857 = vector.broadcast %add3A_856 : i32 to vector<16xi32>
      %add3A_858 = arith.addi %xor3A_230, %add3A_857 : vector<16xi32>
      %select_n3A_859 = arith.select %lt3A_855, %add3A_858, %xor3A_230 : vector<16xi1>, vector<16xi32>
      %broadcast_in_dim3A_860 = vector.shape_cast %select_n3A_859 : vector<16xi32> to vector<16x1xi32>
      %gather3A_861 = vector.shape_cast %broadcast_in_dim3A_860 : vector<16x1xi32> to vector<16xi32>
      %gather3A_862 = tpu.dynamic_gather %select_n3A_852[%gather3A_861] in [0] : vector<16xf32>, vector<16xi32> -> vector<16xf32>
      %add3A_863 = arith.addf %select_n3A_851, %gather3A_862 : vector<16xf32>
      %add3A_864 = arith.addf %add3A_863, %get3A_186 : vector<16xf32>
      %neg3A = arith.constant 0.000000e+00 : f32
      %neg3A_865 = vector.broadcast %neg3A : f32 to vector<16xf32>
      %neg3A_866 = arith.subf %neg3A_865, %add3A_864 : vector<16xf32>
      %exp3A = math.exp %neg3A_866 : vector<16xf32>
      %add3A_867 = arith.constant 1.000000e+00 : f32
      %add3A_868 = vector.broadcast %add3A_867 : f32 to vector<16xf32>
      %add3A_869 = arith.addf %add3A_868, %exp3A : vector<16xf32>
      %div3A = arith.constant 1.000000e+00 : f32
      %div3A_870 = vector.broadcast %div3A : f32 to vector<16xf32>
      %div3A_871 = arith.divf %div3A_870, %add3A_869 : vector<16xf32>
      %sub3A = arith.constant 1.000000e+00 : f32
      %sub3A_872 = vector.broadcast %sub3A : f32 to vector<16xf32>
      %sub3A_873 = arith.subf %sub3A_872, %div3A_871 : vector<16xf32>
      %shift_right_arithmetic3A_874 = arith.constant 1 : i32
      %shift_right_arithmetic3A_875 = vector.broadcast %shift_right_arithmetic3A_874 : i32 to vector<16xi32>
      %shift_right_arithmetic3A_876 = arith.shrsi %iota3A, %shift_right_arithmetic3A_875 : vector<16xi32>
      %and3A_877 = arith.constant 1 : i32
      %and3A_878 = vector.broadcast %and3A_877 : i32 to vector<16xi32>
      %and3A_879 = arith.andi %iota3A, %and3A_878 : vector<16xi32>
      %eq3A_880 = arith.constant 0 : i32
      %eq3A_881 = vector.broadcast %eq3A_880 : i32 to vector<16xi32>
      %eq3A_882 = arith.cmpi eq, %and3A_879, %eq3A_881 : vector<16xi32>
      %lt3A_883 = arith.constant 0 : i32
      %lt3A_884 = vector.broadcast %lt3A_883 : i32 to vector<16xi32>
      %lt3A_885 = arith.cmpi slt, %shift_right_arithmetic3A_876, %lt3A_884 : vector<16xi32>
      %add3A_886 = arith.constant 16 : i32
      %add3A_887 = vector.broadcast %add3A_886 : i32 to vector<16xi32>
      %add3A_888 = arith.addi %shift_right_arithmetic3A_876, %add3A_887 : vector<16xi32>
      %select_n3A_889 = arith.select %lt3A_885, %add3A_888, %shift_right_arithmetic3A_876 : vector<16xi1>, vector<16xi32>
      %broadcast_in_dim3A_890 = vector.shape_cast %select_n3A_889 : vector<16xi32> to vector<16x1xi32>
      %gather3A_891 = vector.shape_cast %broadcast_in_dim3A_890 : vector<16x1xi32> to vector<16xi32>
      %gather3A_892 = tpu.dynamic_gather %div3A_871[%gather3A_891] in [0] : vector<16xf32>, vector<16xi32> -> vector<16xf32>
      %lt3A_893 = arith.constant 0 : i32
      %lt3A_894 = vector.broadcast %lt3A_893 : i32 to vector<16xi32>
      %lt3A_895 = arith.cmpi slt, %shift_right_arithmetic3A_876, %lt3A_894 : vector<16xi32>
      %add3A_896 = arith.constant 16 : i32
      %add3A_897 = vector.broadcast %add3A_896 : i32 to vector<16xi32>
      %add3A_898 = arith.addi %shift_right_arithmetic3A_876, %add3A_897 : vector<16xi32>
      %select_n3A_899 = arith.select %lt3A_895, %add3A_898, %shift_right_arithmetic3A_876 : vector<16xi1>, vector<16xi32>
      %broadcast_in_dim3A_900 = vector.shape_cast %select_n3A_899 : vector<16xi32> to vector<16x1xi32>
      %gather3A_901 = vector.shape_cast %broadcast_in_dim3A_900 : vector<16x1xi32> to vector<16xi32>
      %gather3A_902 = tpu.dynamic_gather %sub3A_873[%gather3A_901] in [0] : vector<16xf32>, vector<16xi32> -> vector<16xf32>
      %add3A_903 = arith.constant 8 : i32
      %add3A_904 = vector.broadcast %add3A_903 : i32 to vector<16xi32>
      %add3A_905 = arith.addi %shift_right_arithmetic3A_876, %add3A_904 : vector<16xi32>
      %lt3A_906 = arith.constant 0 : i32
      %lt3A_907 = vector.broadcast %lt3A_906 : i32 to vector<16xi32>
      %lt3A_908 = arith.cmpi slt, %add3A_905, %lt3A_907 : vector<16xi32>
      %add3A_909 = arith.constant 16 : i32
      %add3A_910 = vector.broadcast %add3A_909 : i32 to vector<16xi32>
      %add3A_911 = arith.addi %add3A_905, %add3A_910 : vector<16xi32>
      %select_n3A_912 = arith.select %lt3A_908, %add3A_911, %add3A_905 : vector<16xi1>, vector<16xi32>
      %broadcast_in_dim3A_913 = vector.shape_cast %select_n3A_912 : vector<16xi32> to vector<16x1xi32>
      %gather3A_914 = vector.shape_cast %broadcast_in_dim3A_913 : vector<16x1xi32> to vector<16xi32>
      %gather3A_915 = tpu.dynamic_gather %div3A_871[%gather3A_914] in [0] : vector<16xf32>, vector<16xi32> -> vector<16xf32>
      %add3A_916 = arith.constant 8 : i32
      %add3A_917 = vector.broadcast %add3A_916 : i32 to vector<16xi32>
      %add3A_918 = arith.addi %shift_right_arithmetic3A_876, %add3A_917 : vector<16xi32>
      %lt3A_919 = arith.constant 0 : i32
      %lt3A_920 = vector.broadcast %lt3A_919 : i32 to vector<16xi32>
      %lt3A_921 = arith.cmpi slt, %add3A_918, %lt3A_920 : vector<16xi32>
      %add3A_922 = arith.constant 16 : i32
      %add3A_923 = vector.broadcast %add3A_922 : i32 to vector<16xi32>
      %add3A_924 = arith.addi %add3A_918, %add3A_923 : vector<16xi32>
      %select_n3A_925 = arith.select %lt3A_921, %add3A_924, %add3A_918 : vector<16xi1>, vector<16xi32>
      %broadcast_in_dim3A_926 = vector.shape_cast %select_n3A_925 : vector<16xi32> to vector<16x1xi32>
      %gather3A_927 = vector.shape_cast %broadcast_in_dim3A_926 : vector<16x1xi32> to vector<16xi32>
      %gather3A_928 = tpu.dynamic_gather %sub3A_873[%gather3A_927] in [0] : vector<16xf32>, vector<16xi32> -> vector<16xf32>
      %select_n3A_929 = arith.select %eq3A_882, %gather3A_892, %gather3A_902 : vector<16xi1>, vector<16xf32>
      %mul3A_930 = arith.constant 2 : i32
      %mul3A_931 = arith.muli %scan3A_240, %mul3A_930 : i32
      %mul3A_932 = arith.constant 16 : i32
      %mul3A_933 = arith.muli %mul3A_931, %mul3A_932 : i32
      %swap3A = arith.index_cast %mul3A_933 : i32 to index
      %swap3A_934 = tpu.vector_load %arg13[%swap3A] {strides = array<i32>} : memref<1024xf32, #tpu.memory_space<vmem>>, vector<16xf32>,
      %swap3A_935 = vector.shape_cast %swap3A_934 : vector<16xf32> to vector<16xf32>
      %swap3A_936 = vector.shape_cast %select_n3A_929 : vector<16xf32> to vector<16xf32>
      tpu.vector_store %arg13[%swap3A], %swap3A_936 {strides = array<i32>} : memref<1024xf32, #tpu.memory_space<vmem>>, vector<16xf32>,
      %select_n3A_937 = arith.select %eq3A_882, %gather3A_915, %gather3A_928 : vector<16xi1>, vector<16xf32>
      %mul3A_938 = arith.constant 2 : i32
      %mul3A_939 = arith.muli %scan3A_240, %mul3A_938 : i32
      %mul3A_940 = arith.constant 16 : i32
      %mul3A_941 = arith.muli %mul3A_939, %mul3A_940 : i32
      %add3A_942 = arith.constant 16 : i32
      %add3A_943 = arith.addi %mul3A_941, %add3A_942 : i32
      %swap3A_944 = arith.index_cast %add3A_943 : i32 to index
      %swap3A_945 = tpu.vector_load %arg13[%swap3A_944] {strides = array<i32>} : memref<1024xf32, #tpu.memory_space<vmem>>, vector<16xf32>,
      %swap3A_946 = vector.shape_cast %swap3A_945 : vector<16xf32> to vector<16xf32>
      %swap3A_947 = vector.shape_cast %select_n3A_937 : vector<16xf32> to vector<16xf32>
      tpu.vector_store %arg13[%swap3A_944], %swap3A_947 {strides = array<i32>} : memref<1024xf32, #tpu.memory_space<vmem>>, vector<16xf32>,
    }
    %scan3A_235 = arith.constant 32 : i32
    %mul3A_236 = arith.constant 512 : i32
    %mul3A_237 = arith.muli %add3A, %mul3A_236 : i32
    %mul3A_238 = arith.constant 2 : i32
    %mul3A_239 = arith.muli %mul3A_237, %mul3A_238 : i32
    "tpu.region"() ({
      %run_scoped3A = tpu.sem_alloc : memref<!tpu.dma_semaphore, #tpu.memory_space<semaphore_mem>>
      %dma_start3A_240 = tpu.memref_slice %arg7[%mul3A_239] : memref<32768xf32, #tpu.memory_space<hbm>> -> memref<1024xf32, #tpu.memory_space<hbm>>
      %dma_start3A_241 = tpu.memref_slice %arg7[%mul3A_239] : memref<32768xf32, #tpu.memory_space<hbm>> -> memref<1024xf32, #tpu.memory_space<hbm>>
      tpu.enqueue_dma source(%arg13 : memref<1024xf32, #tpu.memory_space<vmem>>) target(%dma_start3A_241 : memref<1024xf32, #tpu.memory_space<hbm>>) target_semaphore(%run_scoped3A : memref<!tpu.dma_semaphore, #tpu.memory_space<semaphore_mem>>)
      %dma_wait3A_242 = tpu.memref_slice %arg7[%mul3A_239] : memref<32768xf32, #tpu.memory_space<hbm>> -> memref<1024xf32, #tpu.memory_space<hbm>>
      %dma_wait3A_243 = tpu.memref_slice %arg7[%mul3A_239] : memref<32768xf32, #tpu.memory_space<hbm>> -> memref<1024xf32, #tpu.memory_space<hbm>>
      tpu.wait_dma2 semaphore(%run_scoped3A : memref<!tpu.dma_semaphore, #tpu.memory_space<semaphore_mem>>) src(%arg13 : memref<1024xf32, #tpu.memory_space<vmem>>) dst(%dma_wait3A_243 : memref<1024xf32, #tpu.memory_space<hbm>>)
      tpu.yield
    }) : () -> ()
    return
  }
}

</mosaic_0001>

<sc_bundles>
// kernel: _run.3.cloned.1.call-start
scs
__scs_entry_jumppad:
0x0: {  	(pc) =	sbr.rel $0x88, $3  }
0x1: {  	(tag) =	ssettag $0x0;
	lr =	simm.s32 $0x1  }
0x2: {  	[smem:$0x3F9C] =	sst lr;
	_ =	strace $0xD0000000  }
0x3: {  	_ = 	snop  }
0x4: {  	_ = 	snop  }
0x5: {  	_ = 	snop  }
0x6: {  	_ = 	snop  }
0x7: {  	_ = 	snop  }
__scs_overlays_trampoline_lowered:
0x8: {  	[smem:$0x3FAB] =	sst s0  }
0x9: {  	[smem:$0x3FAC] =	sst s1  }
0xa: {  	[smem:$0x3FAD] =	sst s2  }
0xb: {  	[smem:$0x3FAE] =	sst s3  }
0xc: {  	[smem:$0x3FAF] =	sst s4  }
0xd: {  	[smem:$0x3FB0] =	sst s5  }
0xe: {  	[smem:$0x3FB1] =	sst s6  }
0xf: {  	[smem:$0x3FB2] =	sst s7  }
0x10: {  	[smem:$0x3FB3] =	sst s8  }
0x11: {  	[smem:$0x3FB4] =	sst s9;
	s0 =	simm.s32 @!p0 $0x0  }
0x12: {  	s1 =	sld [smem:$0x3F9A];
	s0 =	simm.s32 @p0 $0x1  }
0x13: {  	[smem:$0x3FB5] =	sst s0;
	s0 =	simm.s32 @!p1 $0x0  }
0x14: {  	s2 =	sld [smem:$0x3F99];
	s0 =	simm.s32 @p1 $0x1  }
0x15: {  	[smem:$0x3FB6] =	sst s0;
	s0 =	simm.s32 @!p2 $0x0  }
0x16: {  	s3 =	sld [smem:$0x3FDB];
	s0 =	simm.s32 @p2 $0x1  }
0x17: {  	s4 =	simm.s32 $0x1BF5;
	[smem:$0x3FB8] =	sst s0  }
0x18: {  	s0 =	sld [smem:$0x3F9B];
	_ =	swait.ge [sflag:s4], $0x0  }
0x19: {  	s7 =	sld [smem:$0x3F9C]  }
0x1a: {  	s8 =	sadd.s32 $0xFFFFE003, lr  }
0x1b: {  	s9 =	sadd.s32 $0xFFFFFEF7, lr;
	s5 =	simm.s32 $0xFFFFFFFF;
	p2 =	slt.u32 s8, $0xFFFFF086  }
0x1c: {  	p1 =	slt.u32 s9, $0xF7A;
	s5 =	simm.s32 @!p2 $0x0  }
0x1d: {  	s5 =	simm.s32 @p1 $0x1;
	p0 =	seq.s32 s7, s2  }
0x1e: {  	s7 =	smul.u32 @!p0 $0xF7A, s2;
	p2 =	seq.s32 @!p0 s5, $0x0  }
0x1f: {  	s9 =	smul.u32 $0xF7A, s1;
	s8 =	simm.s32 @!p0 $0x1BF5;
	p2 =	por !p2, p0  }
0x20: {  	[sflag:s8] =	ssyncset.s32 @!p0 $0xFFFFF086;
	s6 =	sadd.s32 @!p0 s3, s7;
	s7 =	simm.s32 @!p0 $0x108  }
0x21: {  	s3 =	sadd.s32 s3, s9;
	s6 =	sadd.s32 @!p0 $0x88, s6;
	s7 =	simm.s32 @p2 $0x1082  }
0x22: {  	[simem:s7], [sflag:s8] =	dma.local @!p0 [hbm:s6], $0xF7A  }
0x23: {  	s9 =	sor.u32 $0xD0000000, s2;
	s6 =	simm.s32 $0x108;
	_ =	swait.ge @!p0 [sflag:s8], $0x0  }
0x24: {  	s3 =	sadd.s32 $0x88, s3;
	s6 =	simm.s32 @!p1 $0x1082;
	[sflag:s4] =	ssyncset.s32 $0xFFFFF086  }
0x25: {  	[simem:s6], [sflag:s4] =	dma.local [hbm:s3], $0xF7A  }
0x26: {  	[smem:$0x3F9C] =	sst s1;
	(tag) =	ssettag s2;
	_ =	strace s9  }
0x27: {  	s1 =	sld [smem:$0x3FAC]  }
0x28: {  	s2 =	sld [smem:$0x3FAD]  }
0x29: {  	s4 =	sld [smem:$0x3FAF]  }
0x2a: {  	p0 =	seq.s32 s5, $0x0;
	s5 =	sld [smem:$0x3FB0]  }
0x2b: {  	s6 =	sld [smem:$0x3FB1]  }
0x2c: {  	s7 =	sld [smem:$0x3FB2]  }
0x2d: {  	s3 =	simm.s32 $0x108;
	s8 =	sld [smem:$0x3FB3]  }
0x2e: {  	s3 =	simm.s32 @!p0 $0x1082;
	s9 =	sld [smem:$0x3FB4]  }
0x2f: {  	lr =	sadd.s32 s0, s3;
	s0 =	sld [smem:$0x3FAB]  }
0x30: {  	s3 =	sld [smem:$0x3FAE]  }
0x31: {  	[smem:$0x3FB7] =	sst s10  }
0x32: {  	s10 =	sld [smem:$0x3FB5];
	_ =	sdelay $0x3  }
0x33: {  	p0 =	seq.s32 s10, $0x1;
	s10 =	sld [smem:$0x3FB7];
	_ =	sdelay $0x3  }
0x34: {  	[smem:$0x3FB7] =	sst s10  }
0x35: {  	s10 =	sld [smem:$0x3FB6];
	_ =	sdelay $0x3  }
0x36: {  	p1 =	seq.s32 s10, $0x1;
	s10 =	sld [smem:$0x3FB7];
	_ =	sdelay $0x3  }
0x37: {  	[smem:$0x3FB7] =	sst s10  }
0x38: {  	s10 =	sld [smem:$0x3FB8]  }
0x39: {  	_ = 	snop;
	(pc) =	sbr.ind lr, $3  }
0x3a: {  	_ = 	snop  }
0x3b: {  	_ = 	snop  }
0x3c: {  	p2 =	seq.s32 s10, $0x1;
	s10 =	sld [smem:$0x3FB7]  }
0x3d: {  	_ =	shalt  }
0x3e: {  	_ =	shalt  }
0x3f: {  	_ =	shalt  }
0x40: {  	_ =	shalt  }
0x41: {  	_ =	shalt  }
0x42: {  	_ =	shalt  }
0x43: {  	_ =	shalt  }
0x44: {  	_ =	shalt  }
0x45: {  	_ =	shalt  }
0x46: {  	_ =	shalt  }
0x47: {  	_ =	shalt  }
0x48: {  	_ =	shalt  }
0x49: {  	_ =	shalt  }
0x4a: {  	_ =	shalt  }
0x4b: {  	_ =	shalt  }
0x4c: {  	_ =	shalt  }
0x4d: {  	_ =	shalt  }
0x4e: {  	_ =	shalt  }
0x4f: {  	_ =	shalt  }
0x50: {  	_ =	shalt  }
0x51: {  	_ =	shalt  }
0x52: {  	_ =	shalt  }
0x53: {  	_ =	shalt  }
0x54: {  	_ =	shalt  }
0x55: {  	_ =	shalt  }
0x56: {  	_ =	shalt  }
0x57: {  	_ =	shalt  }
0x58: {  	_ =	shalt  }
0x59: {  	_ =	shalt  }
0x5a: {  	_ =	shalt  }
0x5b: {  	_ =	shalt  }
0x5c: {  	_ =	shalt  }
0x5d: {  	_ =	shalt  }
0x5e: {  	_ =	shalt  }
0x5f: {  	_ =	shalt  }
0x60: {  	_ =	shalt  }
0x61: {  	_ =	shalt  }
0x62: {  	_ =	shalt  }
0x63: {  	_ =	shalt  }
0x64: {  	_ =	shalt  }
0x65: {  	_ =	shalt  }
0x66: {  	_ =	shalt  }
0x67: {  	_ =	shalt  }
0x68: {  	_ =	shalt  }
0x69: {  	_ =	shalt  }
0x6a: {  	_ =	shalt  }
0x6b: {  	_ =	shalt  }
0x6c: {  	_ =	shalt  }
0x6d: {  	_ =	shalt  }
0x6e: {  	_ =	shalt  }
0x6f: {  	_ =	shalt  }
0x70: {  	_ =	shalt  }
0x71: {  	_ =	shalt  }
0x72: {  	_ =	shalt  }
0x73: {  	_ =	shalt  }
0x74: {  	_ =	shalt  }
0x75: {  	_ =	shalt  }
0x76: {  	_ =	shalt  }
0x77: {  	_ =	shalt  }
0x78: {  	_ =	shalt  }
0x79: {  	_ =	shalt  }
0x7a: {  	_ =	shalt  }
0x7b: {  	_ =	shalt  }
0x7c: {  	_ =	shalt  }
0x7d: {  	_ =	shalt  }
0x7e: {  	_ =	shalt  }
0x7f: {  	_ =	shalt  }
0x80: {  	_ =	shalt  }
0x81: {  	_ =	shalt  }
0x82: {  	_ =	shalt  }
0x83: {  	_ =	shalt  }
0x84: {  	_ =	shalt  }
0x85: {  	_ =	shalt  }
0x86: {  	_ =	shalt  }
0x87: {  	_ =	shalt  }
.Lfunc_end0:
.L_simem_size_0:
called_computation_lowered:
.L_overlay_start_0:
0x88: {  	s2 =	sld [smem:$0x3FD9]  }
0x89: {  	s3 =	sld [smem:$0x3FFE];
	_ =	sdelay $0x1  }
0x8a: {  	s1 =	srdreg.scid  }
0x8b: {  	s0 =	sand.u32 $0x1, s1  }
0x8c: {  	s17 =	sshll.u32 s0, $0xA;
	s2 =	sadd.s32 s3, s2  }
0x8d: {  	s2 =	sadd.s32 s2, s17  }
0x8e: {  	[smem:$0x3FC3] =	sst s2  }
0x8f: {  	_ = 	snop  }
0x90: {  	s2 =	sld [smem:$0x3FC9]  }
0x91: {  	s18 =	sld [smem:$0x3FC8]  }
0x92: {  	s4 =	sld [smem:$0x3FD0];
	(tm) =	ssettm $0x1  }
0x93: {  	s5 =	sld [smem:$0x3FFB];
	_ =	sdelay $0x3  }
0x94: {  	_ =	strace s5  }
0x95: {  	s5 =	sld [smem:$0x3FFC];
	_ =	sdelay $0x3  }
0x96: {  	_ =	strace s5  }
0x97: {  	s5 =	sld [smem:$0x3FFD];
	_ =	sdelay $0x3  }
0x98: {  	_ =	strace s5  }
0x99: {  	_ =	strace $0x8FFFFFFF  }
0x9a: {  	s19 =	sld [smem:$0x3FDB];
	_ =	sdelay $0x1  }
0x9b: {  	s6 =	simm.s32 $_scs_section_size  }
0x9c: {  	s7 =	simm.s32 $_size__tile_overlayer_lowered;
	s8 =	simm.s32 $_tile_overlayer_lowered  }
0x9d: {  	s22 =	simm.s32 $0x1BFF;
	s21 =	sshll.u32 s8, $0x1;
	s5 =	sadd.s32 s6, s19  }
0x9e: {  	s9 =	simm.s32 $0x0;
	s20 =	sshll.u32 s7, $0x1;
	s7 =	sadd.s32 s21, s5  }
0x9f: {  	[timem:s9], [sflag:s22] =	dma.local [hbm:s7], s20  }
0xa0: {  	_ =	swait.ge [sflag:s22], s20  }
0xa1: {  	s6 =	ssub.s32 $0x0, s20;
	[sflag:s22] =	ssyncset.done $0x0  }
0xa2: {  	[sflag:s22] =	ssyncadd.s32 s6;
	_ =	sdelay $0x1  }
0xa3: {  	s23 =	simm.s32 $0x1B8B  }
0xa4: {  	_ =	swait.ge [sflag:s23], $0x1  }
0xa5: {  	[sflag:s23] =	ssyncset.done $0x0  }
0xa6: {  	s25 =	simm.s32 $0x1B8E;
	s24 =	sld [smem:$0x3FFE];
	[sflag:s23] =	ssyncadd.s32 $0xFFFFFFFF  }
0xa7: {  	s26 =	simm.s32 $execute0_lowered;
	[smem:$0x3FD2] =	sst s25  }
0xa8: {  	s7 =	sshll.u32 s26, $0x1;
	_ =	strace $0x80000046;
	[dreg:$0x1] =	wrdreg $0xFFFFFFFF  }
0xa9: {  	s28 =	simm.s32 $_size_execute0_lowered;
	s5 =	sadd.s32 s5, s7;
	[dreg:$0x0] =	wrdreg $0x0  }
0xaa: {  	s7 =	sshll.u32 s28, $0x1;
	[dreg:$0x2] =	wrdreg s5  }
0xab: {  	[dreg:$0x3] =	wrdreg s7  }
0xac: {  	[dreg:$0x4] =	wrdreg $0xC0  }
0xad: {  	_ =	task [dreg:s9], $0x5FFFF  }
0xae: {  	[dreg:$0x1] =	wrdreg $0xFFFFFFFF  }
0xaf: {  	[dreg:$0x0] =	wrdreg $0x60  }
0xb0: {  	[dreg:$0x2] =	wrdreg s2  }
0xb1: {  	[dreg:$0x3] =	wrdreg s18  }
0xb2: {  	[dreg:$0x4] =	wrdreg s24  }
0xb3: {  	[dreg:$0x5] =	wrdreg s4  }
0xb4: {  	[dreg:$0x6] =	wrdreg $0x9  }
0xb5: {  	_ =	task.clear_ibuf [dreg:s9], $0x7FFFF;
	_ =	strace $0x90000046  }
0xb6: {  	s29 =	simm.s32 $0x9;
	_ =	strace $0x80000048  }
0xb7: {  	_ =	swait.ge [sflag:s29], $0x1  }
0xb8: {  	[sflag:s29] =	ssyncadd.s32 $0xFFFFFFFF  }
0xb9: {  	_ =	strace $0x90000048  }
0xba: {  	_ =	sfence  }
0xbb: {  	s30 =	sld [smem:$0x0];
	_ =	sdelay $0x2  }
0xbc: {  	s31 =	sshll.u32 s1, $0xD;
	s1 =	sshrl.u32 s1, $0x2  }
0xbd: {  	s3 =	sand.u32 $0x4000, s31;
	s1 =	sadd.s32 s1, s30  }
0xbe: {  	s0 =	sor.u32 s3, s0;
	s1 =	sshll.u32 s1, $0x11  }
0xbf: {  	s0 =	sor.u32 s1, s0  }
0xc0: {  	s0 =	sadd.s32 $0x8F2B, s0  }
0xc1: {  	[sflag:s0] =	ssyncadd.remote.s32 $0x1  }
0xc2: {  	_ =	sfence.sel $0xFFFF  }
0xc3: {  	[dreg:$0x0] =	wrdreg $0xFFFFFFFF;
	(pc) =	sbr.abs _section_cstart, $3  }
0xc4: {  	[dreg:$0x1] =	wrdreg $0xFFFFFFFF  }
0xc5: {  	_ =	task.clear_ibuf [dreg:s9], $0x2FFFF;
	_ =	strace $0x9FFFFFFF  }
0xc6: {  	(tm) =	ssettm $0x7FFFFFFF  }
0xc7: {  	_ =	shalt  }
tec
execute0_lowered:
.L_overlay_start_1:
0x0: {  	(tag) =	ssettag $0x1  }
0x1: {  	vm0 =	vcmask $0xB08  }
0x2: {  	vm1 =	vcmask $0x300;
	v0 =	vimm.s32 $0xEFCDAB89;
	v1 =	vimm.s32 $0x67452301  }
0x3: {  	vm2 =	vcmask $0x700;
	v2 =	vimm.s32 $0xDCFE98BA;
	v3 =	vimm.s32 $0x54761032  }
0x4: {  	v4 =	vimm.s32 $0x32107654;
	v5 =	vimm.s32 $0x76543210;
	vm3 =	vcmask $0xF00  }
0x5: {  	s0 =	rddreg [dreg:$0x0];
	vm0 =	vmor vm1, vm0;
	vm1 =	vcmask $0x1310;
	v0 =	vunpack.c.l.s4.s8 v0  }
0x6: {  	s2 =	rddreg [dreg:$0x1];
	v1 =	vunpack.c.l.s4.s8 v1;
	v2 =	vunpack.c.l.s4.s8 v2;
	v4 =	vunpack.c.l.s4.s8 v4  }
0x7: {  	s5 =	rddreg [dreg:$0x2];
	v5 =	vunpack.c.l.s4.s8 v5;
	vm0 =	vmor vm0, vm1;
	vm1 =	vcmask $0x1B18  }
0x8: {  	s8 =	rddreg [dreg:$0x3];
	s1 =	simm.s32 $0x0;
	vm0 =	vmor vm0, vm1;
	vm1 =	vcmask $0x2320;
	v0 =	vunpack.c.0.s8.s32 v0  }
0x9: {  	s4 =	srdreg.scid;
	s9 =	stileid.u32;
	s11 =	simm.s32 $0x200;
	v1 =	vunpack.c.0.s8.s32 v1;
	vm0 =	vmor vm0, vm1;
	vm1 =	vcmask $0x2B28  }
0xa: {  	s12 =	simm.s32 $0x8400;
	s13 =	simm.s32 $0x80;
	s14 =	simm.s32 $0x400;
	v2 =	vunpack.c.0.s8.s32 v2;
	vm0 =	vmor vm0, vm1;
	vm1 =	vcmask $0x3330  }
0xb: {  	s15 =	simm.s32 $0x4400;
	s16 =	simm.s32 $0x1400;
	s17 =	simm.s32 $0x280;
	v0 =	vcombine.low v1, v0;
	v1 =	vunpack.c.l.s4.s8 v3;
	v3 =	vimm.s32 $0xBA98FEDC  }
0xc: {  	s18 =	simm.s32 $0x5400;
	s19 =	simm.s32 $0x100;
	s20 =	simm.s32 $0x2400;
	vm0 =	vmor vm0, vm1;
	vm1 =	vcmask $0x3B38;
	v3 =	vunpack.c.l.s4.s8 v3  }
0xd: {  	s21 =	simm.s32 $0x300;
	s22 =	simm.s32 $0x6400;
	s23 =	simm.s32 $0x180;
	vm0 =	vmor vm0, vm1;
	vm1 =	vcmask $0x1710;
	v1 =	vunpack.c.0.s8.s32 v1  }
0xe: {  	s24 =	simm.s32 $0x3400;
	s28 =	simm.s32 $0x1;
	s29 =	simm.s32 $0x8450;
	v4 =	vunpack.c.0.s8.s32 v4;
	vm1 =	vmor vm2, vm1;
	vm2 =	vcmask $0x2720  }
0xf: {  	s30 =	simm.s32 $0x0;
	[smem:$0x7FF] =	sst s1;
	s3 =	sadd.s32 $0xF42C00, s5;
	v1 =	vcombine.low v1, v2;
	v2 =	vunpack.c.0.s8.s32 v3;
	v3 =	vimm.s32 $0xFEDCBA98  }
0x10: {  	s6 =	sand.u32 $0x1, s4;
	s4 =	sadd.s32 $0x187200, s5;
	s9 =	sshll.u32 s9, $0x1;
	vm1 =	vmor vm1, vm2;
	vm2 =	vcmask $0x3730;
	v3 =	vunpack.c.l.s4.s8 v3  }
0x11: {  	s5 =	sadd.s32 $0x800, s5;
	s7 =	ssub.s32 $0x2, s6;
	s6 =	sor.u32 s6, s9;
	v0 =	vand.u32 $0xF, v0;
	vm1 =	vmor vm1, vm2;
	vm2 =	vcmask $0x2F20  }
0x12: {  	_ =	strace $0x80000047;
	s10 =	sshrl.u32 s7, $0x1;
	s26 =	sshll.u32 s6, $0x6;
	v1 =	vand.u32 $0xF, v1;
	v2 =	vcombine.low v4, v2;
	v3 =	vunpack.c.0.s8.s32 v3  }
0x13: {  	s31 =	sshll.u32 s6, $0x7;
	s25 =	ssub.s32 s7, s10;
	s6 =	sadd.s32 s0, s26;
	vm2 =	vmor vm3, vm2;
	v4 =	vunpack.c.0.s8.s32 v5;
	v5 =	vlaneseq.u32  }
0x14: {  	s7 =	sadd.s32 s2, s26;
	s8 =	sadd.s32 s8, s31;
	s10 =	simm.s32 $0x2;
	vm3 =	vmmov $0xff;
	v6 =	vand.u32 $0xF, v3;
	v3 =	vshrl.u32 v5, $0x1  }
0x15: {  	s26 =	simm.s32 $0x7400;
	s9 =	smax.u32 s25, $0x1;
	s25 =	simm.s32 $0x380;
	v2 =	vand.u32 $0xF, v2;
	v4 =	vcombine.low v6, v4;
	v5 =	vor.u32 $0x8, v3  }
.LBB2_1:
0x16: {  	[tilespmem:s1], [sflag:$0x2] =	stream.linear.gather [hbm4b:s6+s1], $0x200, $0x38;
	[tilespmem:$0x8850] =	vst v63  }
0x17: {  	_ =	swait.ge [sflag:s10], $0x200  }
0x18: {  	[sflag:s10] =	ssyncset.done $0x0  }
0x19: {  	[sflag:s10] =	ssyncadd.s32 $0xFFFFFE00  }
0x1a: {  	[tilespmem:s11], [sflag:$0x2] =	stream.linear.gather [hbm4b:s7+s1], $0x200, $0x38;
	[tilespmem:$0x8850] =	vst v63  }
0x1b: {  	_ =	swait.ge [sflag:s10], $0x200  }
0x1c: {  	[sflag:s10] =	ssyncset.done $0x0  }
0x1d: {  	[sflag:s10] =	ssyncadd.s32 $0xFFFFFE00  }
0x1e: {  	[tilespmem:s12], [sflag:$0x2] =	stream.linear.gather [hbm4b:s5+s1], $0x50, $0x38;
	[tilespmem:$0x8850] =	vst v63  }
0x1f: {  	_ =	swait.ge [sflag:s10], $0x50  }
0x20: {  	[sflag:s10] =	ssyncset.done $0x0  }
0x21: {  	[sflag:s10] =	ssyncadd.s32 $0xFFFFFFB0  }
0x22: {  	[tilespmem:s14], [sflag:$0x1] =	stream.indirect.gather [hbm4b:s3+s13], $0x20, s1, s13, $0xb8;
	[tilespmem:$0x8850] =	vst v63  }
0x23: {  	_ = 	snop  }
0x24: {  	[tilespmem:s15], [sflag:$0x1] =	stream.indirect.gather [hbm4b:s4+s13], $0x20, s11, s13, $0xb8;
	[tilespmem:$0x8850] =	vst v63  }
0x25: {  	_ = 	snop  }
0x26: {  	[tilespmem:s16], [sflag:$0x1] =	stream.indirect.gather [hbm4b:s3+s13], $0x20, s13, s13, $0xb8;
	[tilespmem:$0x8850] =	vst v63  }
0x27: {  	_ = 	snop  }
0x28: {  	[tilespmem:s18], [sflag:$0x1] =	stream.indirect.gather [hbm4b:s4+s13], $0x20, s17, s13, $0xb8;
	[tilespmem:$0x8850] =	vst v63  }
0x29: {  	_ = 	snop  }
0x2a: {  	[tilespmem:s20], [sflag:$0x1] =	stream.indirect.gather [hbm4b:s3+s13], $0x20, s19, s13, $0xb8;
	[tilespmem:$0x8850] =	vst v63  }
0x2b: {  	_ = 	snop  }
0x2c: {  	[tilespmem:s22], [sflag:$0x1] =	stream.indirect.gather [hbm4b:s4+s13], $0x20, s21, s13, $0xb8;
	[tilespmem:$0x8850] =	vst v63  }
0x2d: {  	_ = 	snop  }
0x2e: {  	[tilespmem:s24], [sflag:$0x1] =	stream.indirect.gather [hbm4b:s3+s13], $0x20, s23, s13, $0xb8;
	[tilespmem:$0x8850] =	vst v63  }
0x2f: {  	_ = 	snop  }
0x30: {  	[tilespmem:s26], [sflag:$0x1] =	stream.indirect.gather [hbm4b:s4+s13], $0x20, s25, s13, $0xb8;
	[tilespmem:$0x8850] =	vst v63  }
0x31: {  	_ =	swait.ge [sflag:s28], $0x1000  }
0x32: {  	[sflag:s28] =	ssyncset.done $0x0  }
0x33: {  	[sflag:s28] =	ssyncadd.s32 $0xFFFFF000  }
0x34: {  	_ =	swait.ge [sflag:s28], $0x1000  }
0x35: {  	[sflag:s28] =	ssyncset.done $0x0  }
0x36: {  	[sflag:s28] =	ssyncadd.s32 $0xFFFFF000  }
0x37: {  	_ =	swait.ge [sflag:s28], $0x1000  }
0x38: {  	[sflag:s28] =	ssyncset.done $0x0  }
0x39: {  	[sflag:s28] =	ssyncadd.s32 $0xFFFFF000  }
0x3a: {  	_ =	swait.ge [sflag:s28], $0x1000  }
0x3b: {  	[sflag:s28] =	ssyncset.done $0x0  }
0x3c: {  	[sflag:s28] =	ssyncadd.s32 $0xFFFFF000  }
0x3d: {  	_ =	swait.ge [sflag:s28], $0x1000  }
0x3e: {  	[sflag:s28] =	ssyncset.done $0x0  }
0x3f: {  	[sflag:s28] =	ssyncadd.s32 $0xFFFFF000  }
0x40: {  	_ =	swait.ge [sflag:s28], $0x1000  }
0x41: {  	[sflag:s28] =	ssyncset.done $0x0  }
0x42: {  	[sflag:s28] =	ssyncadd.s32 $0xFFFFF000  }
0x43: {  	_ =	swait.ge [sflag:s28], $0x1000  }
0x44: {  	[sflag:s28] =	ssyncset.done $0x0  }
0x45: {  	[sflag:s28] =	ssyncadd.s32 $0xFFFFF000  }
0x46: {  	_ =	swait.ge [sflag:s28], $0x1000  }
0x47: {  	[sflag:s28] =	ssyncset.done $0x0  }
0x48: {  	[sflag:s28] =	ssyncadd.s32 $0xFFFFF000  }
0x49: {  	v6 =	vld [tilespmem:$0x8400]  }
0x4a: {  	v7 =	vld [tilespmem:$0x8410]  }
0x4b: {  	v8 =	vld [tilespmem:$0x8420]  }
0x4c: {  	v9 =	vld [tilespmem:$0x8430]  }
0x4d: {  	s31 =	simm.s32 $0x8460;
	s0 =	simm.s32 $0x0;
	v10 =	vld [tilespmem:$0x8440]  }
.LBB2_2:
0x4e: {  	s2 =	sshra.s32 s0, $0x2  }
0x4f: {  	v11 =	vld [tilespmem:s2+$0x400]  }
0x50: {  	v12 =	vld [tilespmem:s2+$0x410]  }
0x51: {  	v13 =	vld [tilespmem:s2+$0x4400]  }
0x52: {  	v14 =	vld [tilespmem:s2+$0x4410]  }
0x53: {  	v15 =	vld [tilespmem:s2+$0x420]  }
0x54: {  	v16 =	vld [tilespmem:s2+$0x430]  }
0x55: {  	v17 =	vld [tilespmem:s2+$0x4420]  }
0x56: {  	v18 =	vld [tilespmem:s2+$0x4430]  }
0x57: {  	v19 =	vld [tilespmem:s2+$0x440]  }
0x58: {  	v20 =	vld [tilespmem:s2+$0x450]  }
0x59: {  	v21 =	vld [tilespmem:s2+$0x4440]  }
0x5a: {  	v22 =	vld [tilespmem:s2+$0x4450]  }
0x5b: {  	v23 =	vld [tilespmem:s2+$0x460]  }
0x5c: {  	v24 =	vld [tilespmem:s2+$0x470]  }
0x5d: {  	v25 =	vld [tilespmem:s2+$0x4460]  }
0x5e: {  	v26 =	vld [tilespmem:s2+$0x4470]  }
0x5f: {  	v27 =	vld [tilespmem:s2+$0x480]  }
0x60: {  	v28 =	vld [tilespmem:s2+$0x490]  }
0x61: {  	v29 =	vld [tilespmem:s2+$0x4480]  }
0x62: {  	v30 =	vld [tilespmem:s2+$0x4490]  }
0x63: {  	v31 =	vld [tilespmem:s2+$0x4A0]  }
0x64: {  	v32 =	vld [tilespmem:s2+$0x4B0]  }
0x65: {  	v33 =	vld [tilespmem:s2+$0x44A0]  }
0x66: {  	v34 =	vld [tilespmem:s2+$0x44B0]  }
0x67: {  	v35 =	vld [tilespmem:s2+$0x4C0]  }
0x68: {  	v36 =	vld [tilespmem:s2+$0x4D0]  }
0x69: {  	v37 =	vld [tilespmem:s2+$0x44C0];
	v11 =	vmul.f32 v11, v6  }
0x6a: {  	v38 =	vld [tilespmem:s2+$0x44D0];
	v12 =	vmul.f32 v12, v7;
	v15 =	vmul.f32 v15, v6  }
0x6b: {  	v39 =	vld [tilespmem:s2+$0x4E0];
	v16 =	vmul.f32 v16, v7;
	v48 =	vmul.f32 v13, v8  }
0x6c: {  	v40 =	vld [tilespmem:s2+$0x4F0];
	v49 =	vmul.f32 v14, v9;
	v50 =	vmul.f32 v17, v8  }
0x6d: {  	v41 =	vld [tilespmem:s2+$0x44E0];
	v51 =	vmul.f32 v18, v9;
	v52 =	vmul.f32 v19, v6  }
0x6e: {  	v42 =	vld [tilespmem:s2+$0x44F0];
	v53 =	vmul.f32 v20, v7;
	v54 =	vmul.f32 v23, v6  }
0x6f: {  	v43 =	vld [tilespmem:s2+$0x500];
	v55 =	vmul.f32 v24, v7;
	v56 =	vmul.f32 v21, v8  }
0x70: {  	v44 =	vld [tilespmem:s2+$0x510];
	v57 =	vmul.f32 v25, v8;
	v58 =	vmul.f32 v27, v6  }
0x71: {  	v45 =	vld [tilespmem:s2+$0x560];
	v59 =	vmul.f32 v28, v7;
	v60 =	vmul.f32 v31, v6  }
0x72: {  	v47 =	vld [tilespmem:s2+$0x570];
	v61 =	vmul.f32 v32, v7;
	v22 =	vmul.f32 v22, v9  }
0x73: {  	v14 =	vld [tilespmem:s2+$0x4500];
	v62 =	vmul.f32 v29, v8;
	v26 =	vmul.f32 v26, v9  }
0x74: {  	v18 =	vld [tilespmem:s2+$0x4510];
	v63 =	vmul.f32 v33, v8;
	v33 =	vmul.f32 v30, v9  }
0x75: {  	v20 =	vld [tilespmem:s2+$0x520];
	v46 =	vmul.f32 v34, v9;
	v11 =	vadd.f32 v12, v11;
	v15 =	vadd.f32 v16, v15  }
0x76: {  	v24 =	vld [tilespmem:s2+$0x530];
	v12 =	vadd.f32 v53, v52;
	v16 =	vadd.f32 v55, v54;
	v52 =	vmul.f32 v40, v7  }
0x77: {  	v19 =	vld [tilespmem:s2+$0x4520];
	v13 =	vadd.f32 v59, v58;
	v54 =	vmul.f32 v37, v8;
	v55 =	vmul.f32 v38, v9  }
0x78: {  	v25 =	vld [tilespmem:s2+$0x540];
	v17 =	vadd.f32 v61, v60;
	v58 =	vmul.f32 v42, v9;
	v60 =	vmul.f32 v43, v6  }
0x79: {  	v28 =	vld [tilespmem:s2+$0x550];
	v61 =	vmul.f32 v44, v7;
	v42 =	vmul.f32 v47, v7;
	v11 =	vadd.f32 v48, v11  }
0x7a: {  	v29 =	vld [tilespmem:s2+$0x4540];
	v15 =	vadd.f32 v50, v15;
	v12 =	vadd.f32 v56, v12;
	v48 =	vmul.f32 v35, v6  }
0x7b: {  	v21 =	vld [tilespmem:s2+$0x4530];
	v16 =	vadd.f32 v57, v16;
	v57 =	vmul.f32 v41, v8;
	v41 =	vmul.f32 v45, v6  }
0x7c: {  	v31 =	vld [tilespmem:s2+$0x4550];
	v13 =	vadd.f32 v62, v13;
	v20 =	vmul.f32 v20, v6;
	v24 =	vmul.f32 v24, v7  }
0x7d: {  	v37 =	vld [tilespmem:s2+$0x5B0];
	v17 =	vadd.f32 v63, v17;
	v14 =	vmul.f32 v14, v8;
	v19 =	vmul.f32 v19, v8  }
0x7e: {  	v43 =	vld [tilespmem:s2+$0x45B0];
	v30 =	vadd.f32 v61, v60;
	v25 =	vmul.f32 v25, v6;
	v28 =	vmul.f32 v28, v7  }
0x7f: {  	v47 =	vld [tilespmem:s2+$0x5D0];
	v18 =	vmul.f32 v18, v9;
	v44 =	vmul.f32 v29, v8;
	v11 =	vadd.f32 v49, v11  }
0x80: {  	v53 =	vld [tilespmem:s2+$0x4570];
	v21 =	vmul.f32 v21, v9;
	v15 =	vadd.f32 v51, v15;
	v12 =	vadd.f32 v22, v12  }
0x81: {  	v50 =	vld [tilespmem:s2+$0x4560];
	v16 =	vadd.f32 v26, v16;
	v13 =	vadd.f32 v33, v13;
	v49 =	vmul.f32 v36, v7  }
0x82: {  	v56 =	vld [tilespmem:s2+$0x580];
	v17 =	vadd.f32 v46, v17;
	v51 =	vmul.f32 v39, v6;
	v20 =	vadd.f32 v24, v20  }
0x83: {  	v63 =	vld [tilespmem:s2+$0x5A0];
	v14 =	vadd.f32 v14, v30;
	v25 =	vadd.f32 v28, v25;
	v24 =	vmul.f32 v37, v7  }
0x84: {  	v45 =	vld [tilespmem:s2+$0x5C0];
	v61 =	vmul.f32 v47, v7;
	v27 =	vmul.f32 v43, v9;
	v22 =	vadd.f32 v49, v48  }
0x85: {  	v26 =	vadd.f32 v52, v51;
	v49 =	vmul.f32 v31, v9;
	v51 =	vmul.f32 v53, v9  }
0x86: {  	v59 =	vld [tilespmem:s2+$0x590];
	v38 =	vsel vm0, v15, v11;
	v40 =	vsel vm0, v17, v13;
	v11 =	vsel vm0, v11, v15  }
0x87: {  	v39 =	vld [tilespmem:s2+$0x45A0];
	v13 =	vsel vm0, v13, v17;
	v19 =	vadd.f32 v19, v20;
	v20 =	vadd.f32 v42, v41  }
0x88: {  	v33 =	vld [tilespmem:s2+$0x4590];
	v46 =	vmul.f32 v50, v8;
	v14 =	vadd.f32 v18, v14;
	v53 =	vmul.f32 v56, v6  }
0x89: {  	v48 =	vadd.f32 v44, v25;
	v56 =	vmul.f32 v63, v6;
	v60 =	vmul.f32 v45, v6  }
0x8a: {  	v62 =	vld [tilespmem:s2+$0x4580];
	v41 =	vperm.xlane v40, v0;
	v22 =	vadd.f32 v54, v22;
	v26 =	vadd.f32 v57, v26  }
0x8b: {  	v52 =	vld [tilespmem:s2+$0x5F0];
	v54 =	vmul.f32 v59, v7;
	v19 =	vadd.f32 v21, v19;
	v20 =	vadd.f32 v46, v20  }
0x8c: {  	v50 =	vld [tilespmem:s2+$0x5E0];
	v18 =	vadd.f32 v49, v48;
	v30 =	vmul.f32 v39, v8;
	v21 =	vadd.f32 v24, v56  }
0x8d: {  	v57 =	vld [tilespmem:s2+$0x45E0];
	v24 =	vadd.f32 v61, v60;
	v34 =	vmul.f32 v33, v9;
	v39 =	vsel vm0, v16, v12  }
0x8e: {  	v59 =	vld [tilespmem:s2+$0x45D0];
	v12 =	vsel vm0, v12, v16;
	v13 =	vadd.f32 v41, v13;
	v22 =	vadd.f32 v55, v22  }
0x8f: {  	v26 =	vadd.f32 v58, v26;
	v55 =	vld [tilespmem:s2+$0x45C0];
	v25 =	vadd.f32 v54, v53;
	v58 =	vmul.f32 v62, v8  }
0x90: {  	v20 =	vadd.f32 v51, v20;
	v23 =	vmul.f32 v52, v7;
	v21 =	vadd.f32 v30, v21  }
0x91: {  	v62 =	vld [tilespmem:s2+$0x45F0];
	v43 =	vsel vm0, v19, v14;
	v14 =	vsel vm0, v14, v19;
	v25 =	vadd.f32 v58, v25  }
0x92: {  	v28 =	vmul.f32 v50, v6;
	v42 =	vsel vm0, v26, v22;
	v16 =	vperm.xlane v43, v0  }
0x93: {  	v22 =	vsel vm0, v22, v26;
	v35 =	vmul.f32 v57, v8;
	v36 =	vmul.f32 v59, v9  }
0x94: {  	v21 =	vadd.f32 v27, v21;
	v23 =	vadd.f32 v23, v28;
	v63 =	vmul.f32 v55, v8  }
0x95: {  	v27 =	vperm.xlane v38, v0;
	v15 =	vperm.xlane v42, v0;
	v44 =	vsel vm0, v20, v18  }
0x96: {  	v37 =	vmul.f32 v62, v9;
	v23 =	vadd.f32 v35, v23;
	v24 =	vadd.f32 v63, v24  }
0x97: {  	v45 =	vsel vm0, v18, v20;
	v25 =	vadd.f32 v34, v25;
	v14 =	vadd.f32 v16, v14  }
0x98: {  	v28 =	vperm.xlane v39, v0;
	v23 =	vadd.f32 v37, v23;
	v24 =	vadd.f32 v36, v24  }
0x99: {  	v17 =	vperm.xlane v44, v0;
	v11 =	vadd.f32 v27, v11;
	v15 =	vadd.f32 v15, v22  }
0x9a: {  	v12 =	vadd.f32 v28, v12;
	v46 =	vsel vm0, v21, v25;
	v47 =	vsel vm0, v23, v24  }
0x9b: {  	v16 =	vadd.f32 v17, v45;
	v17 =	vperm.xlane v46, v0;
	v18 =	vperm.xlane v47, v0  }
0x9c: {  	v49 =	vsel vm0, v25, v21;
	v51 =	vsel vm1, v15, v13;
	v50 =	vsel vm0, v24, v23  }
0x9d: {  	v13 =	vsel vm1, v13, v15;
	v17 =	vadd.f32 v17, v49;
	v18 =	vadd.f32 v18, v50  }
0x9e: {  	v48 =	vsel vm1, v12, v11;
	v11 =	vsel vm1, v11, v12;
	v12 =	vperm.xlane v51, v1  }
0x9f: {  	v52 =	vsel vm1, v16, v14;
	v19 =	vperm.xlane v48, v1;
	v20 =	vsel vm1, v18, v17  }
0xa0: {  	v55 =	vsel vm1, v14, v16;
	v53 =	vperm.xlane v52, v1;
	v54 =	vperm.xlane v20, v1  }
0xa1: {  	v12 =	vadd.f32 v12, v13;
	v11 =	vadd.f32 v19, v11;
	v56 =	vsel vm1, v17, v18  }
0xa2: {  	v13 =	vadd.f32 v53, v55;
	v14 =	vadd.f32 v54, v56;
	_ =	sdelay $0x1  }
0xa3: {  	v57 =	vsel vm2, v12, v11;
	v58 =	vsel vm2, v14, v13  }
0xa4: {  	v15 =	vperm.xlane v57, v2;
	v16 =	vperm.xlane v58, v2  }
0xa5: {  	v11 =	vsel vm2, v11, v12;
	v59 =	vsel vm2, v13, v14  }
0xa6: {  	v11 =	vadd.f32 v15, v11;
	v12 =	vadd.f32 v16, v59;
	_ =	sdelay $0x1  }
0xa7: {  	v60 =	vsel vm3, v12, v11  }
0xa8: {  	v13 =	vperm.xlane v60, v4  }
0xa9: {  	v11 =	vsel vm3, v11, v12  }
0xaa: {  	v11 =	vadd.f32 v11, v13;
	_ =	sdelay $0x1  }
0xab: {  	v11 =	vadd.f32 v11, v10;
	_ =	sdelay $0x1  }
0xac: {  	v11 =	vsub.f32 $0.0e+00, v11;
	_ =	sdelay $0x1  }
0xad: {  	v11 =	vmul.f32 $1.442695020e+00, v11;
	_ =	sdelay $0x1  }
0xae: {  	(erf) = vpow2.f32 v11;
	_ =	sdelay $0x8  }
0xaf: {  	v11 =	vpop (erf)  }
0xb0: {  	v11 =	vadd.f32 $1.000000000e+00, v11;
	_ =	sdelay $0x1  }
0xb1: {  	(erf) = vrcp.f32 v11;
	_ =	sdelay $0x8  }
0xb2: {  	v11 =	vpop (erf)  }
0xb3: {  	v61 =	vsub.f32 $1.000000000e+00, v11  }
0xb4: {  	p0 =	sne.s32 s0, $0xF800  }
.Ltmp0:
0xb5: {  	v62 =	vperm.xlane v11, v3;
	v63 =	vperm.xlane v61, v3;
	(pc) =	sbr.rel @p0 .LBB2_2-.Ltmp0, $4  }
0xb6: {  	v11 =	vperm.xlane v11, v5;
	v12 =	vperm.xlane v61, v5  }
0xb7: {  	v13 =	vsel vm0, v62, v63  }
0xb8: {  	v11 =	vsel vm0, v11, v12;
	[tilespmem:s31+$0xFFFFFFF0] =	vst v13  }
0xb9: {  	s0 =	sadd.s32 $0x800, s0;
	[tilespmem:s31+$0x0] =	vst v11;
	s31 =	sadd.s32 $0x20, s31  }
0xba: {  	s30 =	sadd.s32 $0x1, s30  }
0xbb: {  	p0 =	sne.s32 s30, s9  }
.Ltmp1:
0xbc: {  	_ = 	snop;
	(pc) =	sbr.rel @p0 .LBB2_1-.Ltmp1, $4  }
0xbd: {  	[hbm4b:s8+s1] =	stream.linear.scatter [tilespmem:s29], [sflag:$0x2], $0x400, $0x38;
	[tilespmem:$0x8850] =	vst v63  }
0xbe: {  	_ =	swait.ge [sflag:s10], $0x400  }
0xbf: {  	[sflag:s10] =	ssyncset.done $0x0  }
0xc0: {  	[sflag:s10] =	ssyncadd.s32 $0xFFFFFC00  }
0xc1: {  	_ =	sfence.sel $0x180000  }
0xc2: {  	[bflag:$0x0] =	sbarrier.arrive $0xFFFF  }
0xc3: {  	_ =	strace $0x90000047  }
0xc4: {  	s0 =	stileid.u32;
	[bflag:$0x2] =	sbarrier.arrive $0xFFFF  }
0xc5: {  	p0 =	sne.s32 s0, $0x0;
	s0 =	rddreg [dreg:$0x4]  }
0xc6: {  	s0 =	sadd.s32 @!p0 $0x100000, s0  }
0xc7: {  	[sflag:s0] =	ssyncadd.tile.s32 @!p0 $0x1;
	_ =	shalt  }
.Lfunc_end2:
_tile_overlayer_lowered:
.L_overlay_start_2:
0xc8: {  	(tag) =	ssettag $0x2  }
0xc9: {  	s0 =	rddreg [dreg:$0x0];
	s2 =	stileid.u32  }
0xca: {  	s1 =	rddreg [dreg:$0x1];
	p0 =	sne.s32 s2, $0x0  }
0xcb: {  	s3 =	rddreg [dreg:$0x2];
	[bflag:$0x3] =	sbarrier.arrive $0xFFFF;
	s2 =	simm.s32 @!p0 $0x1C02  }
0xcc: {  	[timem:s3], [sflag:s2] =	dma.local @!p0 [hbm:s0], s1  }
0xcd: {  	s0 =	simm.s32 @!p0 $0x2  }
0xce: {  	_ =	swait.ge @!p0 [sflag:s0], s1  }
0xcf: {  	s1 =	ssub.s32 @!p0 $0x0, s1;
	[sflag:s0] =	ssyncset.done @!p0 $0x0  }
0xd0: {  	[sflag:s0] =	ssyncadd.s32 @!p0 s1  }
0xd1: {  	[bflag:$0x3] =	sbarrier.arrive $0xFFFF  }
0xd2: {  	_ =	shalt  }

</sc_bundles>
